<compile_context>
chip_gen: v7x
topology: tpu7x:2x2x1
jax: 0.10.2.dev20260603
libtpu: 0.0.44.dev20260713+nightly
codegen_flags: <defaults>
</compile_context>

<pallas_src>
import jax
import jax.numpy as jnp
from jax import lax
from jax.experimental import pallas as pl
from jax.experimental.pallas import tpu as pltpu
from jax.experimental.pallas import tpu_sc as plsc

N = 10000
F = 128
FH = 64
H2 = 256

NC = 2
NS = 16
NW = NC * NS

GW = 128
G_ALL = 2560
E_PAD = G_ALL * GW
GT = G_ALL // NS
GE = G_ALL // NW
N_PAD = 10240
RT = N_PAD // NS
ZT = N // NS

_MESH = plsc.VectorSubcoreMesh(core_axis_name="c", subcore_axis_name="s",
                               num_cores=NC, num_subcores=NS)


def _colsplit_body(x2_hbm, src_hbm, dst_hbm, zacc_hbm, out_hbm,
                   src_v, dst_v, rows0, rows1, acc_sh, sem0, sem1):
  c = lax.axis_index("c")
  s = lax.axis_index("s")

  pltpu.sync_copy(zacc_hbm, acc_sh.at[pl.ds(s * RT, RT)])
  pltpu.sync_copy(src_hbm.at[c].at[pl.ds(s * GT, GT)], src_v)
  pltpu.sync_copy(dst_hbm.at[pl.ds(s * GT, GT)], dst_v)
  plsc.subcore_barrier()

  rows = (rows0, rows1)
  sems = (sem0, sem1)
  pltpu.async_copy(x2_hbm.at[src_v.at[0]], rows[0], sems[0])

  @pl.loop(0, GT, step=2)
  def _(g0):
    for b in range(2):
      g = g0 + b

      @pl.when(g + 1 < GT)
      def _():
        pltpu.async_copy(x2_hbm.at[src_v.at[g + 1]], rows[1 - b],
                         sems[1 - b])

      pltpu.make_async_copy(x2_hbm.at[src_v.at[g]], rows[b], sems[b]).wait()
      pltpu.sync_copy(rows[b], acc_sh.at[dst_v.at[g]], add=True)

  plsc.subcore_barrier()
  pltpu.sync_copy(acc_sh.at[pl.ds(s * RT, RT)],
                  out_hbm.at[c].at[pl.ds(s * RT, RT)])


_sc_agg_col = pl.kernel(
    _colsplit_body,
    out_type=jax.ShapeDtypeStruct((NC, N_PAD, FH), jnp.float32),
    mesh=_MESH,
    compiler_params=pltpu.CompilerParams(use_tc_tiling_on_sc=False),
    scratch_types=[
        pltpu.VMEM((GT, GW), jnp.int32),
        pltpu.VMEM((GT, GW), jnp.int32),
        pltpu.VMEM((GW, FH), jnp.float32),
        pltpu.VMEM((GW, FH), jnp.float32),
        pltpu.VMEM_SHARED((N_PAD, FH), jnp.float32),
        pltpu.SemaphoreType.DMA,
        pltpu.SemaphoreType.DMA,
    ],
)


def _agg16_body(z_hbm, src_hbm, dst_hbm, zacc_hbm, out_hbm,
                src_v, dst_v, rows0, rows1, z_sh, acc_sh, sem0, sem1):
  c = lax.axis_index("c")
  s = lax.axis_index("s")
  wid = c * NS + s

  pltpu.sync_copy(z_hbm.at[pl.ds(s * ZT, ZT)], z_sh.at[pl.ds(s * ZT, ZT)])
  pltpu.sync_copy(zacc_hbm, acc_sh.at[pl.ds(s * RT, RT)])
  pltpu.sync_copy(src_hbm.at[pl.ds(wid * GE, GE)], src_v)
  pltpu.sync_copy(dst_hbm.at[pl.ds(wid * GE, GE)], dst_v)
  plsc.subcore_barrier()

  rows = (rows0, rows1)
  sems = (sem0, sem1)
  pltpu.async_copy(z_sh.at[src_v.at[0]], rows[0], sems[0])

  @pl.loop(0, GE, step=2)
  def _(g0):
    for b in range(2):
      g = g0 + b

      @pl.when(g + 1 < GE)
      def _():
        pltpu.async_copy(z_sh.at[src_v.at[g + 1]], rows[1 - b],
                         sems[1 - b])

      pltpu.make_async_copy(z_sh.at[src_v.at[g]], rows[b], sems[b]).wait()
      pltpu.sync_copy(rows[b], acc_sh.at[dst_v.at[g]], add=True)

  plsc.subcore_barrier()
  pltpu.sync_copy(acc_sh.at[pl.ds(s * RT, RT)],
                  out_hbm.at[c].at[pl.ds(s * RT, RT)])


_sc_agg_16 = pl.kernel(
    _agg16_body,
    out_type=jax.ShapeDtypeStruct((NC, N_PAD, 16), jnp.float32),
    mesh=_MESH,
    compiler_params=pltpu.CompilerParams(use_tc_tiling_on_sc=False),
    scratch_types=[
        pltpu.VMEM((GE, GW), jnp.int32),
        pltpu.VMEM((GE, GW), jnp.int32),
        pltpu.VMEM((GW, 16), jnp.float32),
        pltpu.VMEM((GW, 16), jnp.float32),
        pltpu.VMEM_SHARED((N, 16), jnp.float32),
        pltpu.VMEM_SHARED((N_PAD, 16), jnp.float32),
        pltpu.SemaphoreType.DMA,
        pltpu.SemaphoreType.DMA,
    ],
)


def _counts_body(dst_hbm, zacc_hbm, ones_hbm, out_hbm,
                 dst_v, ones_v, cnt_sh):
  c = lax.axis_index("c")
  s = lax.axis_index("s")
  wid = c * NS + s

  pltpu.sync_copy(zacc_hbm, cnt_sh.at[pl.ds(s * RT, RT)])
  pltpu.sync_copy(dst_hbm.at[pl.ds(wid * GE, GE)], dst_v)
  pltpu.sync_copy(ones_hbm, ones_v)
  plsc.subcore_barrier()

  @pl.loop(0, GE)
  def _(g):
    pltpu.sync_copy(ones_v, cnt_sh.at[dst_v.at[g]], add=True)

  plsc.subcore_barrier()
  pltpu.sync_copy(cnt_sh.at[pl.ds(s * RT, RT)],
                  out_hbm.at[c].at[pl.ds(s * RT, RT)])


_sc_counts = pl.kernel(
    _counts_body,
    out_type=jax.ShapeDtypeStruct((NC, N_PAD, 16), jnp.float32),
    mesh=_MESH,
    compiler_params=pltpu.CompilerParams(use_tc_tiling_on_sc=False),
    scratch_types=[
        pltpu.VMEM((GE, GW), jnp.int32),
        pltpu.VMEM((GW, 16), jnp.float32),
        pltpu.VMEM_SHARED((N_PAD, 16), jnp.float32),
    ],
)


BR = 400


def _mean(agg, cnt_ref):
  deg = (cnt_ref[0] + cnt_ref[1])[:, 0:1]
  return agg * (1.0 / jnp.maximum(deg, 1.0))


def _halves(ref):
  return jnp.concatenate([ref[0], ref[1]], axis=1)


def _tc_layer1(agg_ref, cnt_ref, x_ref, wl_ref, wr_ref, b_ref, o_ref):
  mean = _mean(_halves(agg_ref), cnt_ref)
  h = jnp.dot(mean, wl_ref[...], preferred_element_type=jnp.float32)
  h = h + b_ref[...] + jnp.dot(x_ref[...], wr_ref[...],
                               preferred_element_type=jnp.float32)
  h = jnp.maximum(h, 0.0)
  o_ref[0, 0] = h[:, :FH]
  o_ref[0, 1] = h[:, FH:]


def _tc_layer2(agg_ref, cnt_ref, h1_ref, wl_ref, wr_ref, b_ref, w3l_ref,
               h2_ref, z_ref):
  mean = _mean(_halves(agg_ref), cnt_ref)
  h = jnp.dot(mean, wl_ref[...], preferred_element_type=jnp.float32)
  h1 = jnp.concatenate([h1_ref[0, 0], h1_ref[0, 1]], axis=1)
  h = h + b_ref[...] + jnp.dot(h1, wr_ref[...],
                               preferred_element_type=jnp.float32)
  h2 = jnp.maximum(h, 0.0)
  h2_ref[...] = h2
  z_ref[...] = jnp.dot(h2, w3l_ref[...], preferred_element_type=jnp.float32)


def _tc_layer3(part_ref, cnt_ref, h2_ref, w3r_ref, b3_ref, o_ref):
  agg = part_ref[0] + part_ref[1]
  mean = _mean(agg, cnt_ref)
  r = jnp.dot(h2_ref[...], w3r_ref[...], preferred_element_type=jnp.float32)
  logits = (mean + r + b3_ref[...])[:, 0:2]
  m = jnp.max(logits, axis=1, keepdims=True)
  lse = m + jnp.log(jnp.sum(jnp.exp(logits - m), axis=1, keepdims=True))
  o_ref[...] = logits - lse


def _row_spec(d):
  return pl.BlockSpec((BR, d), lambda i: (i, 0))


def _part_spec(d):
  return pl.BlockSpec((NC, BR, d), lambda i: (0, i, 0))


def _full(shape):
  return pl.BlockSpec(shape, lambda i: tuple(0 for _ in shape))


_GRID = (N // BR,)


def kernel(x, edge_index, W1_l, W1_r, b1, W2_l, W2_r, b2, W3_l, W3_r, b3):
  src = edge_index[0]
  dst = edge_index[1]
  npad = E_PAD - src.shape[0]
  src_p = jnp.concatenate([src, jnp.zeros((npad,), jnp.int32)])
  dst_p = jnp.concatenate(
      [dst, N + (jnp.arange(npad, dtype=jnp.int32) % (N_PAD - N))])
  src2d = src_p.reshape(G_ALL, GW)
  dst2d = dst_p.reshape(G_ALL, GW)
  base = src2d + BR * (src2d // BR)
  src_off = jnp.stack([base, base + BR])

  zacc16 = jnp.zeros((RT, 16), jnp.float32)
  ones = jnp.ones((GW, 16), jnp.float32)

  cnt = _sc_counts(dst2d, zacc16, ones)

  zacc64 = jnp.broadcast_to(jnp.minimum(cnt[0, 0:1, 0:1], 0.0), (RT, FH))

  x_flat = x.reshape(N // BR, BR, 2, FH).transpose(0, 2, 1, 3)
  agg1 = _sc_agg_col(x_flat.reshape(2 * N, FH), src_off, dst2d, zacc64)

  b1r = b1.reshape(1, F)
  h1 = pl.pallas_call(
      _tc_layer1,
      grid=_GRID,
      in_specs=[_part_spec(FH), _part_spec(16), _row_spec(F),
                _full((F, F)), _full((F, F)), _full((1, F))],
      out_specs=pl.BlockSpec((1, 2, BR, FH), lambda i: (i, 0, 0, 0)),
      out_shape=jax.ShapeDtypeStruct((N // BR, 2, BR, FH), jnp.float32),
  )(agg1, cnt, x, W1_l, W1_r, b1r)

  agg2 = _sc_agg_col(h1.reshape(2 * N, FH), src_off, dst2d, zacc64)

  b2r = b2.reshape(1, H2)
  w3l_pad = jnp.pad(W3_l, ((0, 0), (0, 14)))
  h2, z = pl.pallas_call(
      _tc_layer2,
      grid=_GRID,
      in_specs=[_part_spec(FH), _part_spec(16),
                pl.BlockSpec((1, 2, BR, FH), lambda i: (i, 0, 0, 0)),
                _full((F, H2)), _full((F, H2)), _full((1, H2)),
                _full((H2, 16))],
      out_specs=[_row_spec(H2), _row_spec(16)],
      out_shape=[jax.ShapeDtypeStruct((N, H2), jnp.float32),
                 jax.ShapeDtypeStruct((N, 16), jnp.float32)],
  )(agg2, cnt, h1, W2_l, W2_r, b2r, w3l_pad)

  part3 = _sc_agg_16(z, src2d, dst2d, zacc16)

  w3r_pad = jnp.pad(W3_r, ((0, 0), (0, 14)))
  b3_pad = jnp.pad(b3, (0, 14)).reshape(1, 16)
  out = pl.pallas_call(
      _tc_layer3,
      grid=_GRID,
      in_specs=[_part_spec(16), _part_spec(16), _row_spec(H2),
                _full((H2, 16)), _full((1, 16))],
      out_specs=pl.BlockSpec((BR, 2), lambda i: (i, 0)),
      out_shape=jax.ShapeDtypeStruct((N, 2), jnp.float32),
  )(part3, cnt, h2, w3r_pad, b3_pad)
  return out

# --- scband reference (transcript-rebuilt; emitter-appended) ---
"""Pipeline reference for scband-graphsage-mean-64561948393902 (READ-ONLY COPY).

The authoritative reference and input builder live on the scoring server;
editing this copy changes nothing except your own understanding.
"""

import jax, jax.numpy as jnp
import numpy as np

NUM_NODES = 10000
NUM_EDGES = 320000
NUM_FEATURES = 128
HIDDEN = 128
NUM_CLASSES = 2


def _glorot(key, shape):
    fan_in, fan_out = shape[0], shape[1]
    limit = np.sqrt(6.0 / (fan_in + fan_out))
    return jax.random.uniform(key, shape, dtype=jnp.float32, minval=-limit, maxval=limit)


def setup_inputs(seed: int = 0) -> dict:
    key = jax.random.key(seed)
    ks = jax.random.split(key, 12)
    x = jax.random.normal(ks[0], (NUM_NODES, NUM_FEATURES), dtype=jnp.float32)
    edge_index = jax.random.randint(ks[1], (2, NUM_EDGES), 0, NUM_NODES, dtype=jnp.int64 if jax.config.jax_enable_x64 else jnp.int32).astype(jnp.int32)
    # SAGEConv params: lin_l (applied to aggregated neighbors, with bias), lin_r (applied to root, no bias)
    W1_l = _glorot(ks[2], (NUM_FEATURES, HIDDEN))
    W1_r = _glorot(ks[3], (NUM_FEATURES, HIDDEN))
    b1 = jnp.zeros((HIDDEN,), dtype=jnp.float32)
    W2_l = _glorot(ks[4], (HIDDEN, HIDDEN * 2))
    W2_r = _glorot(ks[5], (HIDDEN, HIDDEN * 2))
    b2 = jnp.zeros((HIDDEN * 2,), dtype=jnp.float32)
    W3_l = _glorot(ks[6], (HIDDEN * 2, NUM_CLASSES))
    W3_r = _glorot(ks[7], (HIDDEN * 2, NUM_CLASSES))
    b3 = jnp.zeros((NUM_CLASSES,), dtype=jnp.float32)
    return {
        "x": x, "edge_index": edge_index,
        "W1_l": W1_l, "W1_r": W1_r, "b1": b1,
        "W2_l": W2_l, "W2_r": W2_r, "b2": b2,
        "W3_l": W3_l, "W3_r": W3_r, "b3": b3,
    }


def _sage_conv_mean(x, edge_index, W_l, W_r, b):
    # PyG SAGEConv with mean aggregation, normalize=False:
    # out_i = lin_l(mean_{j in N(i)} x_j) + lin_r(x_i)
    src = edge_index[0]
    dst = edge_index[1]
    n = x.shape[0]
    msgs = jnp.take(x, src, axis=0)                      # gather (SparseCore)
    agg = jax.ops.segment_sum(msgs, dst, num_segments=n)  # scatter-add
    cnt = jax.ops.segment_sum(jnp.ones((src.shape[0],), dtype=x.dtype), dst, num_segments=n)
    mean = agg / jnp.maximum(cnt, 1.0)[:, None]
    return mean @ W_l + b + x @ W_r


def reference(x, edge_index, W1_l, W1_r, b1, W2_l, W2_r, b2, W3_l, W3_r, b3):
    h = _sage_conv_mean(x, edge_index, W1_l, W1_r, b1)
    h = jax.nn.relu(h)
    # dropout is identity in eval mode
    h = _sage_conv_mean(h, edge_index, W2_l, W2_r, b2)
    h = jax.nn.relu(h)
    h = _sage_conv_mean(h, edge_index, W3_l, W3_r, b3)
    return jax.nn.log_softmax(h, axis=1)

if __name__ == "__main__":
    import jax
    _d = setup_inputs()
    print(jax.jit(kernel)(*tuple(_d.values())))

</pallas_src>

<mosaic_0001>
#map = affine_map<(d0, d1) -> (0, 0)>
#map1 = affine_map<(d0, d1) -> (0, 0, 0)>
module attributes {stable_mosaic.version = 14 : i64} {
  func.func @_agg16_body(%arg0: i32, %arg1: i32, %arg2: memref<10000x16xf32, #tpu.memory_space<hbm>>, %arg3: memref<2560x128xi32, #tpu.memory_space<hbm>>, %arg4: memref<2560x128xi32, #tpu.memory_space<hbm>>, %arg5: memref<640x16xf32, #tpu.memory_space<hbm>>, %arg6: memref<2x10240x16xf32, #tpu.memory_space<hbm>>, %arg7: memref<80x128xi32, #tpu.memory_space<vmem>>, %arg8: memref<80x128xi32, #tpu.memory_space<vmem>>, %arg9: memref<128x16xf32, #tpu.memory_space<vmem>>, %arg10: memref<128x16xf32, #tpu.memory_space<vmem>>, %arg11: memref<10000x16xf32, #tpu.memory_space<vmem_shared>>, %arg12: memref<10240x16xf32, #tpu.memory_space<vmem_shared>>, %arg13: memref<!tpu.dma_semaphore, #tpu.memory_space<semaphore_mem>>, %arg14: memref<!tpu.dma_semaphore, #tpu.memory_space<semaphore_mem>>) attributes {dimension_semantics = [#tpu.dimension_semantics<core_parallel>, #tpu.dimension_semantics<subcore_parallel>], iteration_bounds = array<i64: 2, 16>, scalar_prefetch = 0 : i64, scratch_operands = 8 : i64, tpu.core_type = #tpu.core_type<sc_vector_subcore>, window_params = [{transform_indices = #map}, {transform_indices = #map}, {transform_indices = #map}, {transform_indices = #map}, {transform_indices = #map1}]} {
    %mul3A = arith.constant 16 : i32
    %mul3A_0 = arith.muli %arg0, %mul3A : i32
    %add3A = arith.addi %mul3A_0, %arg1 : i32
    %mul3A_1 = arith.constant 625 : i32
    %mul3A_2 = arith.muli %arg1, %mul3A_1 : i32
    %mul3A_3 = arith.constant 625 : i32
    %mul3A_4 = arith.muli %arg1, %mul3A_3 : i32
    "tpu.region"() ({
      %run_scoped3A = tpu.sem_alloc : memref<!tpu.dma_semaphore, #tpu.memory_space<semaphore_mem>>
      %dma_start3A_26 = arith.constant 0 : i32
      %dma_start3A_27 = tpu.memref_slice %arg11[%mul3A_4, %dma_start3A_26] : memref<10000x16xf32, #tpu.memory_space<vmem_shared>> -> memref<625x16xf32, #tpu.memory_space<vmem_shared>>
      %dma_start3A_28 = arith.constant 0 : i32
      %dma_start3A_29 = tpu.memref_slice %arg2[%mul3A_2, %dma_start3A_28] : memref<10000x16xf32, #tpu.memory_space<hbm>> -> memref<625x16xf32, #tpu.memory_space<hbm>>
      tpu.enqueue_dma source(%dma_start3A_29 : memref<625x16xf32, #tpu.memory_space<hbm>>) target(%dma_start3A_27 : memref<625x16xf32, #tpu.memory_space<vmem_shared>>) target_semaphore(%run_scoped3A : memref<!tpu.dma_semaphore, #tpu.memory_space<semaphore_mem>>)
      %dma_wait3A = arith.constant 0 : i32
      %dma_wait3A_30 = tpu.memref_slice %arg11[%mul3A_4, %dma_wait3A] : memref<10000x16xf32, #tpu.memory_space<vmem_shared>> -> memref<625x16xf32, #tpu.memory_space<vmem_shared>>
      %dma_wait3A_31 = arith.constant 0 : i32
      %dma_wait3A_32 = tpu.memref_slice %arg2[%mul3A_2, %dma_wait3A_31] : memref<10000x16xf32, #tpu.memory_space<hbm>> -> memref<625x16xf32, #tpu.memory_space<hbm>>
      tpu.wait_dma2 semaphore(%run_scoped3A : memref<!tpu.dma_semaphore, #tpu.memory_space<semaphore_mem>>) src(%dma_wait3A_32 : memref<625x16xf32, #tpu.memory_space<hbm>>) dst(%dma_wait3A_30 : memref<625x16xf32, #tpu.memory_space<vmem_shared>>)
      tpu.yield
    }) : () -> ()
    %mul3A_5 = arith.constant 640 : i32
    %mul3A_6 = arith.muli %arg1, %mul3A_5 : i32
    "tpu.region"() ({
      %run_scoped3A = tpu.sem_alloc : memref<!tpu.dma_semaphore, #tpu.memory_space<semaphore_mem>>
      %dma_start3A_26 = arith.constant 0 : i32
      %dma_start3A_27 = tpu.memref_slice %arg12[%mul3A_6, %dma_start3A_26] : memref<10240x16xf32, #tpu.memory_space<vmem_shared>> -> memref<640x16xf32, #tpu.memory_space<vmem_shared>>
      tpu.enqueue_dma source(%arg5 : memref<640x16xf32, #tpu.memory_space<hbm>>) target(%dma_start3A_27 : memref<640x16xf32, #tpu.memory_space<vmem_shared>>) target_semaphore(%run_scoped3A : memref<!tpu.dma_semaphore, #tpu.memory_space<semaphore_mem>>)
      %dma_wait3A = arith.constant 0 : i32
      %dma_wait3A_28 = tpu.memref_slice %arg12[%mul3A_6, %dma_wait3A] : memref<10240x16xf32, #tpu.memory_space<vmem_shared>> -> memref<640x16xf32, #tpu.memory_space<vmem_shared>>
      tpu.wait_dma2 semaphore(%run_scoped3A : memref<!tpu.dma_semaphore, #tpu.memory_space<semaphore_mem>>) src(%arg5 : memref<640x16xf32, #tpu.memory_space<hbm>>) dst(%dma_wait3A_28 : memref<640x16xf32, #tpu.memory_space<vmem_shared>>)
      tpu.yield
    }) : () -> ()
    %mul3A_7 = arith.constant 80 : i32
    %mul3A_8 = arith.muli %add3A, %mul3A_7 : i32
    "tpu.region"() ({
      %run_scoped3A = tpu.sem_alloc : memref<!tpu.dma_semaphore, #tpu.memory_space<semaphore_mem>>
      %dma_start3A_26 = arith.constant 0 : i32
      %dma_start3A_27 = tpu.memref_slice %arg3[%mul3A_8, %dma_start3A_26] : memref<2560x128xi32, #tpu.memory_space<hbm>> -> memref<80x128xi32, #tpu.memory_space<hbm>>
      %dma_start3A_28 = arith.constant 0 : i32
      %dma_start3A_29 = tpu.memref_slice %arg3[%mul3A_8, %dma_start3A_28] : memref<2560x128xi32, #tpu.memory_space<hbm>> -> memref<80x128xi32, #tpu.memory_space<hbm>>
      tpu.enqueue_dma source(%dma_start3A_29 : memref<80x128xi32, #tpu.memory_space<hbm>>) target(%arg7 : memref<80x128xi32, #tpu.memory_space<vmem>>) target_semaphore(%run_scoped3A : memref<!tpu.dma_semaphore, #tpu.memory_space<semaphore_mem>>)
      %dma_wait3A = arith.constant 0 : i32
      %dma_wait3A_30 = tpu.memref_slice %arg3[%mul3A_8, %dma_wait3A] : memref<2560x128xi32, #tpu.memory_space<hbm>> -> memref<80x128xi32, #tpu.memory_space<hbm>>
      %dma_wait3A_31 = arith.constant 0 : i32
      %dma_wait3A_32 = tpu.memref_slice %arg3[%mul3A_8, %dma_wait3A_31] : memref<2560x128xi32, #tpu.memory_space<hbm>> -> memref<80x128xi32, #tpu.memory_space<hbm>>
      tpu.wait_dma2 semaphore(%run_scoped3A : memref<!tpu.dma_semaphore, #tpu.memory_space<semaphore_mem>>) src(%dma_wait3A_32 : memref<80x128xi32, #tpu.memory_space<hbm>>) dst(%arg7 : memref<80x128xi32, #tpu.memory_space<vmem>>)
      tpu.yield
    }) : () -> ()
    %mul3A_9 = arith.constant 80 : i32
    %mul3A_10 = arith.muli %add3A, %mul3A_9 : i32
    "tpu.region"() ({
      %run_scoped3A = tpu.sem_alloc : memref<!tpu.dma_semaphore, #tpu.memory_space<semaphore_mem>>
      %dma_start3A_26 = arith.constant 0 : i32
      %dma_start3A_27 = tpu.memref_slice %arg4[%mul3A_10, %dma_start3A_26] : memref<2560x128xi32, #tpu.memory_space<hbm>> -> memref<80x128xi32, #tpu.memory_space<hbm>>
      %dma_start3A_28 = arith.constant 0 : i32
      %dma_start3A_29 = tpu.memref_slice %arg4[%mul3A_10, %dma_start3A_28] : memref<2560x128xi32, #tpu.memory_space<hbm>> -> memref<80x128xi32, #tpu.memory_space<hbm>>
      tpu.enqueue_dma source(%dma_start3A_29 : memref<80x128xi32, #tpu.memory_space<hbm>>) target(%arg8 : memref<80x128xi32, #tpu.memory_space<vmem>>) target_semaphore(%run_scoped3A : memref<!tpu.dma_semaphore, #tpu.memory_space<semaphore_mem>>)
      %dma_wait3A = arith.constant 0 : i32
      %dma_wait3A_30 = tpu.memref_slice %arg4[%mul3A_10, %dma_wait3A] : memref<2560x128xi32, #tpu.memory_space<hbm>> -> memref<80x128xi32, #tpu.memory_space<hbm>>
      %dma_wait3A_31 = arith.constant 0 : i32
      %dma_wait3A_32 = tpu.memref_slice %arg4[%mul3A_10, %dma_wait3A_31] : memref<2560x128xi32, #tpu.memory_space<hbm>> -> memref<80x128xi32, #tpu.memory_space<hbm>>
      tpu.wait_dma2 semaphore(%run_scoped3A : memref<!tpu.dma_semaphore, #tpu.memory_space<semaphore_mem>>) src(%dma_wait3A_32 : memref<80x128xi32, #tpu.memory_space<hbm>>) dst(%arg8 : memref<80x128xi32, #tpu.memory_space<vmem>>)
      tpu.yield
    }) : () -> ()
    %barrier3A = arith.constant 0 : index
    tpu.barrier barrier_id(%barrier3A)
    %dma_start3A = arith.constant 0 : i32
    %dma_start3A_11 = arith.constant 0 : i32
    %dma_start3A_12 = tpu.memref_slice %arg7[%dma_start3A, %dma_start3A_11] : memref<80x128xi32, #tpu.memory_space<vmem>> -> memref<1x128xi32, #tpu.memory_space<vmem>>
    %dma_start3A_13 = tpu.memref_squeeze %dma_start3A_12 : memref<1x128xi32, #tpu.memory_space<vmem>> -> memref<128xi32, #tpu.memory_space<vmem>>
    %dma_start3A_14 = arith.constant 0 : i32
    %dma_start3A_15 = arith.constant 0 : i32
    %dma_start3A_16 = tpu.memref_slice %arg11[%dma_start3A_14, %dma_start3A_15] : memref<10000x16xf32, #tpu.memory_space<vmem_shared>> -> memref<10000x16xf32, #tpu.memory_space<vmem_shared>>
    tpu.enqueue_indirect_dma source(%dma_start3A_16 : memref<10000x16xf32, #tpu.memory_space<vmem_shared>>) target(%arg9 : memref<128x16xf32, #tpu.memory_space<vmem>>) offsets(%dma_start3A_13 : memref<128xi32, #tpu.memory_space<vmem>>) semaphore(%arg13 : memref<!tpu.dma_semaphore, #tpu.memory_space<semaphore_mem>>)
    %scan3A = arith.constant 0 : i32
    %scan3A_17 = arith.constant 40 : i32
    %scan3A_18 = arith.addi %scan3A, %scan3A_17 : i32
    %scan3A_19 = arith.constant 1 : i32
    scf.for %scan3A_26 = %scan3A to %scan3A_18 step %scan3A_19  : i32 {
      %mul3A_27 = arith.constant 2 : i32
      %mul3A_28 = arith.muli %scan3A_26, %mul3A_27 : i32
      %add3A_29 = arith.constant 0 : i32
      %add3A_30 = arith.addi %add3A_29, %mul3A_28 : i32
      %add3A_31 = arith.constant 0 : i32
      %add3A_32 = arith.addi %add3A_30, %add3A_31 : i32
      %add3A_33 = arith.constant 1 : i32
      %add3A_34 = arith.addi %add3A_32, %add3A_33 : i32
      %lt3A = arith.constant 80 : i32
      %lt3A_35 = arith.cmpi slt, %add3A_34, %lt3A : i32
      %convert_element_type3A = arith.extui %lt3A_35 : i1 to i32
      %cond3A = arith.constant 0 : i32
      %cond3A_36 = arith.cmpi ne, %convert_element_type3A, %cond3A : i32
      scf.if %cond3A_36 {
        %add3A_57 = arith.constant 1 : i32
        %add3A_58 = arith.addi %add3A_32, %add3A_57 : i32
        %dma_start3A_59 = arith.constant 0 : i32
        %dma_start3A_60 = tpu.memref_slice %arg7[%add3A_58, %dma_start3A_59] : memref<80x128xi32, #tpu.memory_space<vmem>> -> memref<1x128xi32, #tpu.memory_space<vmem>>
        %dma_start3A_61 = tpu.memref_squeeze %dma_start3A_60 : memref<1x128xi32, #tpu.memory_space<vmem>> -> memref<128xi32, #tpu.memory_space<vmem>>
        %dma_start3A_62 = arith.constant 0 : i32
        %dma_start3A_63 = arith.constant 0 : i32
        %dma_start3A_64 = tpu.memref_slice %arg11[%dma_start3A_62, %dma_start3A_63] : memref<10000x16xf32, #tpu.memory_space<vmem_shared>> -> memref<10000x16xf32, #tpu.memory_space<vmem_shared>>
        tpu.enqueue_indirect_dma source(%dma_start3A_64 : memref<10000x16xf32, #tpu.memory_space<vmem_shared>>) target(%arg10 : memref<128x16xf32, #tpu.memory_space<vmem>>) offsets(%dma_start3A_61 : memref<128xi32, #tpu.memory_space<vmem>>) semaphore(%arg14 : memref<!tpu.dma_semaphore, #tpu.memory_space<semaphore_mem>>)
      } else {
      }
      %dma_wait3A = arith.constant 0 : i32
      %dma_wait3A_37 = tpu.memref_slice %arg7[%add3A_32, %dma_wait3A] : memref<80x128xi32, #tpu.memory_space<vmem>> -> memref<1x128xi32, #tpu.memory_space<vmem>>
      %dma_wait3A_38 = tpu.memref_squeeze %dma_wait3A_37 : memref<1x128xi32, #tpu.memory_space<vmem>> -> memref<128xi32, #tpu.memory_space<vmem>>
      %dma_wait3A_39 = arith.constant 0 : i32
      %dma_wait3A_40 = arith.constant 0 : i32
      %dma_wait3A_41 = tpu.memref_slice %arg11[%dma_wait3A_39, %dma_wait3A_40] : memref<10000x16xf32, #tpu.memory_space<vmem_shared>> -> memref<10000x16xf32, #tpu.memory_space<vmem_shared>>
      tpu.wait_indirect_dma semaphore(%arg13 : memref<!tpu.dma_semaphore, #tpu.memory_space<semaphore_mem>>) src(%dma_wait3A_41 : memref<10000x16xf32, #tpu.memory_space<vmem_shared>>) dst(%arg9 : memref<128x16xf32, #tpu.memory_space<vmem>>)
      "tpu.region"() ({
        %run_scoped3A = tpu.sem_alloc : memref<!tpu.dma_semaphore, #tpu.memory_space<semaphore_mem>>
        %dma_start3A_57 = arith.constant 0 : i32
        %dma_start3A_58 = tpu.memref_slice %arg8[%add3A_32, %dma_start3A_57] : memref<80x128xi32, #tpu.memory_space<vmem>> -> memref<1x128xi32, #tpu.memory_space<vmem>>
        %dma_start3A_59 = tpu.memref_squeeze %dma_start3A_58 : memref<1x128xi32, #tpu.memory_space<vmem>> -> memref<128xi32, #tpu.memory_space<vmem>>
        %dma_start3A_60 = arith.constant 0 : i32
        %dma_start3A_61 = arith.constant 0 : i32
        %dma_start3A_62 = tpu.memref_slice %arg12[%dma_start3A_60, %dma_start3A_61] : memref<10240x16xf32, #tpu.memory_space<vmem_shared>> -> memref<10240x16xf32, #tpu.memory_space<vmem_shared>>
        tpu.enqueue_indirect_dma source(%arg9 : memref<128x16xf32, #tpu.memory_space<vmem>>) target(%dma_start3A_62 : memref<10240x16xf32, #tpu.memory_space<vmem_shared>>) offsets(%dma_start3A_59 : memref<128xi32, #tpu.memory_space<vmem>>) semaphore(%run_scoped3A : memref<!tpu.dma_semaphore, #tpu.memory_space<semaphore_mem>>) {add = true}
        %dma_wait3A_63 = arith.constant 0 : i32
        %dma_wait3A_64 = tpu.memref_slice %arg8[%add3A_32, %dma_wait3A_63] : memref<80x128xi32, #tpu.memory_space<vmem>> -> memref<1x128xi32, #tpu.memory_space<vmem>>
        %dma_wait3A_65 = tpu.memref_squeeze %dma_wait3A_64 : memref<1x128xi32, #tpu.memory_space<vmem>> -> memref<128xi32, #tpu.memory_space<vmem>>
        %dma_wait3A_66 = arith.constant 0 : i32
        %dma_wait3A_67 = arith.constant 0 : i32
        %dma_wait3A_68 = tpu.memref_slice %arg12[%dma_wait3A_66, %dma_wait3A_67] : memref<10240x16xf32, #tpu.memory_space<vmem_shared>> -> memref<10240x16xf32, #tpu.memory_space<vmem_shared>>
        tpu.wait_indirect_dma semaphore(%run_scoped3A : memref<!tpu.dma_semaphore, #tpu.memory_space<semaphore_mem>>) src(%arg9 : memref<128x16xf32, #tpu.memory_space<vmem>>) dst(%dma_wait3A_68 : memref<10240x16xf32, #tpu.memory_space<vmem_shared>>)
        tpu.yield
      }) : () -> ()
      %add3A_42 = arith.constant 1 : i32
      %add3A_43 = arith.addi %add3A_30, %add3A_42 : i32
      %add3A_44 = arith.constant 1 : i32
      %add3A_45 = arith.addi %add3A_43, %add3A_44 : i32
      %lt3A_46 = arith.constant 80 : i32
      %lt3A_47 = arith.cmpi slt, %add3A_45, %lt3A_46 : i32
      %convert_element_type3A_48 = arith.extui %lt3A_47 : i1 to i32
      %cond3A_49 = arith.constant 0 : i32
      %cond3A_50 = arith.cmpi ne, %convert_element_type3A_48, %cond3A_49 : i32
      scf.if %cond3A_50 {
        %add3A_57 = arith.constant 1 : i32
        %add3A_58 = arith.addi %add3A_43, %add3A_57 : i32
        %dma_start3A_59 = arith.constant 0 : i32
        %dma_start3A_60 = tpu.memref_slice %arg7[%add3A_58, %dma_start3A_59] : memref<80x128xi32, #tpu.memory_space<vmem>> -> memref<1x128xi32, #tpu.memory_space<vmem>>
        %dma_start3A_61 = tpu.memref_squeeze %dma_start3A_60 : memref<1x128xi32, #tpu.memory_space<vmem>> -> memref<128xi32, #tpu.memory_space<vmem>>
        %dma_start3A_62 = arith.constant 0 : i32
        %dma_start3A_63 = arith.constant 0 : i32
        %dma_start3A_64 = tpu.memref_slice %arg11[%dma_start3A_62, %dma_start3A_63] : memref<10000x16xf32, #tpu.memory_space<vmem_shared>> -> memref<10000x16xf32, #tpu.memory_space<vmem_shared>>
        tpu.enqueue_indirect_dma source(%dma_start3A_64 : memref<10000x16xf32, #tpu.memory_space<vmem_shared>>) target(%arg9 : memref<128x16xf32, #tpu.memory_space<vmem>>) offsets(%dma_start3A_61 : memref<128xi32, #tpu.memory_space<vmem>>) semaphore(%arg13 : memref<!tpu.dma_semaphore, #tpu.memory_space<semaphore_mem>>)
      } else {
      }
      %dma_wait3A_51 = arith.constant 0 : i32
      %dma_wait3A_52 = tpu.memref_slice %arg7[%add3A_43, %dma_wait3A_51] : memref<80x128xi32, #tpu.memory_space<vmem>> -> memref<1x128xi32, #tpu.memory_space<vmem>>
      %dma_wait3A_53 = tpu.memref_squeeze %dma_wait3A_52 : memref<1x128xi32, #tpu.memory_space<vmem>> -> memref<128xi32, #tpu.memory_space<vmem>>
      %dma_wait3A_54 = arith.constant 0 : i32
      %dma_wait3A_55 = arith.constant 0 : i32
      %dma_wait3A_56 = tpu.memref_slice %arg11[%dma_wait3A_54, %dma_wait3A_55] : memref<10000x16xf32, #tpu.memory_space<vmem_shared>> -> memref<10000x16xf32, #tpu.memory_space<vmem_shared>>
      tpu.wait_indirect_dma semaphore(%arg14 : memref<!tpu.dma_semaphore, #tpu.memory_space<semaphore_mem>>) src(%dma_wait3A_56 : memref<10000x16xf32, #tpu.memory_space<vmem_shared>>) dst(%arg10 : memref<128x16xf32, #tpu.memory_space<vmem>>)
      "tpu.region"() ({
        %run_scoped3A = tpu.sem_alloc : memref<!tpu.dma_semaphore, #tpu.memory_space<semaphore_mem>>
        %dma_start3A_57 = arith.constant 0 : i32
        %dma_start3A_58 = tpu.memref_slice %arg8[%add3A_43, %dma_start3A_57] : memref<80x128xi32, #tpu.memory_space<vmem>> -> memref<1x128xi32, #tpu.memory_space<vmem>>
        %dma_start3A_59 = tpu.memref_squeeze %dma_start3A_58 : memref<1x128xi32, #tpu.memory_space<vmem>> -> memref<128xi32, #tpu.memory_space<vmem>>
        %dma_start3A_60 = arith.constant 0 : i32
        %dma_start3A_61 = arith.constant 0 : i32
        %dma_start3A_62 = tpu.memref_slice %arg12[%dma_start3A_60, %dma_start3A_61] : memref<10240x16xf32, #tpu.memory_space<vmem_shared>> -> memref<10240x16xf32, #tpu.memory_space<vmem_shared>>
        tpu.enqueue_indirect_dma source(%arg10 : memref<128x16xf32, #tpu.memory_space<vmem>>) target(%dma_start3A_62 : memref<10240x16xf32, #tpu.memory_space<vmem_shared>>) offsets(%dma_start3A_59 : memref<128xi32, #tpu.memory_space<vmem>>) semaphore(%run_scoped3A : memref<!tpu.dma_semaphore, #tpu.memory_space<semaphore_mem>>) {add = true}
        %dma_wait3A_63 = arith.constant 0 : i32
        %dma_wait3A_64 = tpu.memref_slice %arg8[%add3A_43, %dma_wait3A_63] : memref<80x128xi32, #tpu.memory_space<vmem>> -> memref<1x128xi32, #tpu.memory_space<vmem>>
        %dma_wait3A_65 = tpu.memref_squeeze %dma_wait3A_64 : memref<1x128xi32, #tpu.memory_space<vmem>> -> memref<128xi32, #tpu.memory_space<vmem>>
        %dma_wait3A_66 = arith.constant 0 : i32
        %dma_wait3A_67 = arith.constant 0 : i32
        %dma_wait3A_68 = tpu.memref_slice %arg12[%dma_wait3A_66, %dma_wait3A_67] : memref<10240x16xf32, #tpu.memory_space<vmem_shared>> -> memref<10240x16xf32, #tpu.memory_space<vmem_shared>>
        tpu.wait_indirect_dma semaphore(%run_scoped3A : memref<!tpu.dma_semaphore, #tpu.memory_space<semaphore_mem>>) src(%arg10 : memref<128x16xf32, #tpu.memory_space<vmem>>) dst(%dma_wait3A_68 : memref<10240x16xf32, #tpu.memory_space<vmem_shared>>)
        tpu.yield
      }) : () -> ()
    }
    %scan3A_20 = arith.constant 40 : i32
    %barrier3A_21 = arith.constant 0 : index
    tpu.barrier barrier_id(%barrier3A_21)
    %mul3A_22 = arith.constant 640 : i32
    %mul3A_23 = arith.muli %arg1, %mul3A_22 : i32
    %mul3A_24 = arith.constant 640 : i32
    %mul3A_25 = arith.muli %arg1, %mul3A_24 : i32
    "tpu.region"() ({
      %run_scoped3A = tpu.sem_alloc : memref<!tpu.dma_semaphore, #tpu.memory_space<semaphore_mem>>
      %dma_start3A_26 = arith.constant 0 : i32
      %dma_start3A_27 = arith.constant 0 : i32
      %dma_start3A_28 = tpu.memref_slice %arg6[%arg0, %dma_start3A_26, %dma_start3A_27] : memref<2x10240x16xf32, #tpu.memory_space<hbm>> -> memref<1x10240x16xf32, #tpu.memory_space<hbm>>
      %dma_start3A_29 = tpu.memref_squeeze %dma_start3A_28 : memref<1x10240x16xf32, #tpu.memory_space<hbm>> -> memref<10240x16xf32, #tpu.memory_space<hbm>>
      %dma_start3A_30 = arith.constant 0 : i32
      %dma_start3A_31 = tpu.memref_slice %dma_start3A_29[%mul3A_25, %dma_start3A_30] : memref<10240x16xf32, #tpu.memory_space<hbm>> -> memref<640x16xf32, #tpu.memory_space<hbm>>
      %dma_start3A_32 = arith.constant 0 : i32
      %dma_start3A_33 = tpu.memref_slice %arg12[%mul3A_23, %dma_start3A_32] : memref<10240x16xf32, #tpu.memory_space<vmem_shared>> -> memref<640x16xf32, #tpu.memory_space<vmem_shared>>
      tpu.enqueue_dma source(%dma_start3A_33 : memref<640x16xf32, #tpu.memory_space<vmem_shared>>) target(%dma_start3A_31 : memref<640x16xf32, #tpu.memory_space<hbm>>) target_semaphore(%run_scoped3A : memref<!tpu.dma_semaphore, #tpu.memory_space<semaphore_mem>>)
      %dma_wait3A = arith.constant 0 : i32
      %dma_wait3A_34 = arith.constant 0 : i32
      %dma_wait3A_35 = tpu.memref_slice %arg6[%arg0, %dma_wait3A, %dma_wait3A_34] : memref<2x10240x16xf32, #tpu.memory_space<hbm>> -> memref<1x10240x16xf32, #tpu.memory_space<hbm>>
      %dma_wait3A_36 = tpu.memref_squeeze %dma_wait3A_35 : memref<1x10240x16xf32, #tpu.memory_space<hbm>> -> memref<10240x16xf32, #tpu.memory_space<hbm>>
      %dma_wait3A_37 = arith.constant 0 : i32
      %dma_wait3A_38 = tpu.memref_slice %dma_wait3A_36[%mul3A_25, %dma_wait3A_37] : memref<10240x16xf32, #tpu.memory_space<hbm>> -> memref<640x16xf32, #tpu.memory_space<hbm>>
      %dma_wait3A_39 = arith.constant 0 : i32
      %dma_wait3A_40 = tpu.memref_slice %arg12[%mul3A_23, %dma_wait3A_39] : memref<10240x16xf32, #tpu.memory_space<vmem_shared>> -> memref<640x16xf32, #tpu.memory_space<vmem_shared>>
      tpu.wait_dma2 semaphore(%run_scoped3A : memref<!tpu.dma_semaphore, #tpu.memory_space<semaphore_mem>>) src(%dma_wait3A_40 : memref<640x16xf32, #tpu.memory_space<vmem_shared>>) dst(%dma_wait3A_38 : memref<640x16xf32, #tpu.memory_space<hbm>>)
      tpu.yield
    }) : () -> ()
    return
  }
}

#map = affine_map<(d0, d1) -> (0, 0)>
#map1 = affine_map<(d0, d1) -> (0, 0, 0)>
module attributes {stable_mosaic.version = 14 : i64} {
  func.func @_counts_body(%arg0: i32, %arg1: i32, %arg2: memref<2560x128xi32, #tpu.memory_space<hbm>>, %arg3: memref<640x16xf32, #tpu.memory_space<hbm>>, %arg4: memref<128x16xf32, #tpu.memory_space<hbm>>, %arg5: memref<2x10240x16xf32, #tpu.memory_space<hbm>>, %arg6: memref<80x128xi32, #tpu.memory_space<vmem>>, %arg7: memref<128x16xf32, #tpu.memory_space<vmem>>, %arg8: memref<10240x16xf32, #tpu.memory_space<vmem_shared>>) attributes {dimension_semantics = [#tpu.dimension_semantics<core_parallel>, #tpu.dimension_semantics<subcore_parallel>], iteration_bounds = array<i64: 2, 16>, scalar_prefetch = 0 : i64, scratch_operands = 3 : i64, tpu.core_type = #tpu.core_type<sc_vector_subcore>, window_params = [{transform_indices = #map}, {transform_indices = #map}, {transform_indices = #map}, {transform_indices = #map1}]} {
    %mul3A = arith.constant 16 : i32
    %mul3A_0 = arith.muli %arg0, %mul3A : i32
    %add3A = arith.addi %mul3A_0, %arg1 : i32
    %mul3A_1 = arith.constant 640 : i32
    %mul3A_2 = arith.muli %arg1, %mul3A_1 : i32
    "tpu.region"() ({
      %run_scoped3A = tpu.sem_alloc : memref<!tpu.dma_semaphore, #tpu.memory_space<semaphore_mem>>
      %dma_start3A = arith.constant 0 : i32
      %dma_start3A_14 = tpu.memref_slice %arg8[%mul3A_2, %dma_start3A] : memref<10240x16xf32, #tpu.memory_space<vmem_shared>> -> memref<640x16xf32, #tpu.memory_space<vmem_shared>>
      tpu.enqueue_dma source(%arg3 : memref<640x16xf32, #tpu.memory_space<hbm>>) target(%dma_start3A_14 : memref<640x16xf32, #tpu.memory_space<vmem_shared>>) target_semaphore(%run_scoped3A : memref<!tpu.dma_semaphore, #tpu.memory_space<semaphore_mem>>)
      %dma_wait3A = arith.constant 0 : i32
      %dma_wait3A_15 = tpu.memref_slice %arg8[%mul3A_2, %dma_wait3A] : memref<10240x16xf32, #tpu.memory_space<vmem_shared>> -> memref<640x16xf32, #tpu.memory_space<vmem_shared>>
      tpu.wait_dma2 semaphore(%run_scoped3A : memref<!tpu.dma_semaphore, #tpu.memory_space<semaphore_mem>>) src(%arg3 : memref<640x16xf32, #tpu.memory_space<hbm>>) dst(%dma_wait3A_15 : memref<640x16xf32, #tpu.memory_space<vmem_shared>>)
      tpu.yield
    }) : () -> ()
    %mul3A_3 = arith.constant 80 : i32
    %mul3A_4 = arith.muli %add3A, %mul3A_3 : i32
    "tpu.region"() ({
      %run_scoped3A = tpu.sem_alloc : memref<!tpu.dma_semaphore, #tpu.memory_space<semaphore_mem>>
      %dma_start3A = arith.constant 0 : i32
      %dma_start3A_14 = tpu.memref_slice %arg2[%mul3A_4, %dma_start3A] : memref<2560x128xi32, #tpu.memory_space<hbm>> -> memref<80x128xi32, #tpu.memory_space<hbm>>
      %dma_start3A_15 = arith.constant 0 : i32
      %dma_start3A_16 = tpu.memref_slice %arg2[%mul3A_4, %dma_start3A_15] : memref<2560x128xi32, #tpu.memory_space<hbm>> -> memref<80x128xi32, #tpu.memory_space<hbm>>
      tpu.enqueue_dma source(%dma_start3A_16 : memref<80x128xi32, #tpu.memory_space<hbm>>) target(%arg6 : memref<80x128xi32, #tpu.memory_space<vmem>>) target_semaphore(%run_scoped3A : memref<!tpu.dma_semaphore, #tpu.memory_space<semaphore_mem>>)
      %dma_wait3A = arith.constant 0 : i32
      %dma_wait3A_17 = tpu.memref_slice %arg2[%mul3A_4, %dma_wait3A] : memref<2560x128xi32, #tpu.memory_space<hbm>> -> memref<80x128xi32, #tpu.memory_space<hbm>>
      %dma_wait3A_18 = arith.constant 0 : i32
      %dma_wait3A_19 = tpu.memref_slice %arg2[%mul3A_4, %dma_wait3A_18] : memref<2560x128xi32, #tpu.memory_space<hbm>> -> memref<80x128xi32, #tpu.memory_space<hbm>>
      tpu.wait_dma2 semaphore(%run_scoped3A : memref<!tpu.dma_semaphore, #tpu.memory_space<semaphore_mem>>) src(%dma_wait3A_19 : memref<80x128xi32, #tpu.memory_space<hbm>>) dst(%arg6 : memref<80x128xi32, #tpu.memory_space<vmem>>)
      tpu.yield
    }) : () -> ()
    "tpu.region"() ({
      %run_scoped3A = tpu.sem_alloc : memref<!tpu.dma_semaphore, #tpu.memory_space<semaphore_mem>>
      tpu.enqueue_dma source(%arg4 : memref<128x16xf32, #tpu.memory_space<hbm>>) target(%arg7 : memref<128x16xf32, #tpu.memory_space<vmem>>) target_semaphore(%run_scoped3A : memref<!tpu.dma_semaphore, #tpu.memory_space<semaphore_mem>>)
      tpu.wait_dma2 semaphore(%run_scoped3A : memref<!tpu.dma_semaphore, #tpu.memory_space<semaphore_mem>>) src(%arg4 : memref<128x16xf32, #tpu.memory_space<hbm>>) dst(%arg7 : memref<128x16xf32, #tpu.memory_space<vmem>>)
      tpu.yield
    }) : () -> ()
    %barrier3A = arith.constant 0 : index
    tpu.barrier barrier_id(%barrier3A)
    %scan3A = arith.constant 0 : i32
    %scan3A_5 = arith.constant 80 : i32
    %scan3A_6 = arith.addi %scan3A, %scan3A_5 : i32
    %scan3A_7 = arith.constant 1 : i32
    scf.for %scan3A_14 = %scan3A to %scan3A_6 step %scan3A_7  : i32 {
      %mul3A_15 = arith.constant 1 : i32
      %mul3A_16 = arith.muli %scan3A_14, %mul3A_15 : i32
      %add3A_17 = arith.constant 0 : i32
      %add3A_18 = arith.addi %add3A_17, %mul3A_16 : i32
      "tpu.region"() ({
        %run_scoped3A = tpu.sem_alloc : memref<!tpu.dma_semaphore, #tpu.memory_space<semaphore_mem>>
        %dma_start3A = arith.constant 0 : i32
        %dma_start3A_19 = tpu.memref_slice %arg6[%add3A_18, %dma_start3A] : memref<80x128xi32, #tpu.memory_space<vmem>> -> memref<1x128xi32, #tpu.memory_space<vmem>>
        %dma_start3A_20 = tpu.memref_squeeze %dma_start3A_19 : memref<1x128xi32, #tpu.memory_space<vmem>> -> memref<128xi32, #tpu.memory_space<vmem>>
        %dma_start3A_21 = arith.constant 0 : i32
        %dma_start3A_22 = arith.constant 0 : i32
        %dma_start3A_23 = tpu.memref_slice %arg8[%dma_start3A_21, %dma_start3A_22] : memref<10240x16xf32, #tpu.memory_space<vmem_shared>> -> memref<10240x16xf32, #tpu.memory_space<vmem_shared>>
        tpu.enqueue_indirect_dma source(%arg7 : memref<128x16xf32, #tpu.memory_space<vmem>>) target(%dma_start3A_23 : memref<10240x16xf32, #tpu.memory_space<vmem_shared>>) offsets(%dma_start3A_20 : memref<128xi32, #tpu.memory_space<vmem>>) semaphore(%run_scoped3A : memref<!tpu.dma_semaphore, #tpu.memory_space<semaphore_mem>>) {add = true}
        %dma_wait3A = arith.constant 0 : i32
        %dma_wait3A_24 = tpu.memref_slice %arg6[%add3A_18, %dma_wait3A] : memref<80x128xi32, #tpu.memory_space<vmem>> -> memref<1x128xi32, #tpu.memory_space<vmem>>
        %dma_wait3A_25 = tpu.memref_squeeze %dma_wait3A_24 : memref<1x128xi32, #tpu.memory_space<vmem>> -> memref<128xi32, #tpu.memory_space<vmem>>
        %dma_wait3A_26 = arith.constant 0 : i32
        %dma_wait3A_27 = arith.constant 0 : i32
        %dma_wait3A_28 = tpu.memref_slice %arg8[%dma_wait3A_26, %dma_wait3A_27] : memref<10240x16xf32, #tpu.memory_space<vmem_shared>> -> memref<10240x16xf32, #tpu.memory_space<vmem_shared>>
        tpu.wait_indirect_dma semaphore(%run_scoped3A : memref<!tpu.dma_semaphore, #tpu.memory_space<semaphore_mem>>) src(%arg7 : memref<128x16xf32, #tpu.memory_space<vmem>>) dst(%dma_wait3A_28 : memref<10240x16xf32, #tpu.memory_space<vmem_shared>>)
        tpu.yield
      }) : () -> ()
    }
    %scan3A_8 = arith.constant 80 : i32
    %barrier3A_9 = arith.constant 0 : index
    tpu.barrier barrier_id(%barrier3A_9)
    %mul3A_10 = arith.constant 640 : i32
    %mul3A_11 = arith.muli %arg1, %mul3A_10 : i32
    %mul3A_12 = arith.constant 640 : i32
    %mul3A_13 = arith.muli %arg1, %mul3A_12 : i32
    "tpu.region"() ({
      %run_scoped3A = tpu.sem_alloc : memref<!tpu.dma_semaphore, #tpu.memory_space<semaphore_mem>>
      %dma_start3A = arith.constant 0 : i32
      %dma_start3A_14 = arith.constant 0 : i32
      %dma_start3A_15 = tpu.memref_slice %arg5[%arg0, %dma_start3A, %dma_start3A_14] : memref<2x10240x16xf32, #tpu.memory_space<hbm>> -> memref<1x10240x16xf32, #tpu.memory_space<hbm>>
      %dma_start3A_16 = tpu.memref_squeeze %dma_start3A_15 : memref<1x10240x16xf32, #tpu.memory_space<hbm>> -> memref<10240x16xf32, #tpu.memory_space<hbm>>
      %dma_start3A_17 = arith.constant 0 : i32
      %dma_start3A_18 = tpu.memref_slice %dma_start3A_16[%mul3A_13, %dma_start3A_17] : memref<10240x16xf32, #tpu.memory_space<hbm>> -> memref<640x16xf32, #tpu.memory_space<hbm>>
      %dma_start3A_19 = arith.constant 0 : i32
      %dma_start3A_20 = tpu.memref_slice %arg8[%mul3A_11, %dma_start3A_19] : memref<10240x16xf32, #tpu.memory_space<vmem_shared>> -> memref<640x16xf32, #tpu.memory_space<vmem_shared>>
      tpu.enqueue_dma source(%dma_start3A_20 : memref<640x16xf32, #tpu.memory_space<vmem_shared>>) target(%dma_start3A_18 : memref<640x16xf32, #tpu.memory_space<hbm>>) target_semaphore(%run_scoped3A : memref<!tpu.dma_semaphore, #tpu.memory_space<semaphore_mem>>)
      %dma_wait3A = arith.constant 0 : i32
      %dma_wait3A_21 = arith.constant 0 : i32
      %dma_wait3A_22 = tpu.memref_slice %arg5[%arg0, %dma_wait3A, %dma_wait3A_21] : memref<2x10240x16xf32, #tpu.memory_space<hbm>> -> memref<1x10240x16xf32, #tpu.memory_space<hbm>>
      %dma_wait3A_23 = tpu.memref_squeeze %dma_wait3A_22 : memref<1x10240x16xf32, #tpu.memory_space<hbm>> -> memref<10240x16xf32, #tpu.memory_space<hbm>>
      %dma_wait3A_24 = arith.constant 0 : i32
      %dma_wait3A_25 = tpu.memref_slice %dma_wait3A_23[%mul3A_13, %dma_wait3A_24] : memref<10240x16xf32, #tpu.memory_space<hbm>> -> memref<640x16xf32, #tpu.memory_space<hbm>>
      %dma_wait3A_26 = arith.constant 0 : i32
      %dma_wait3A_27 = tpu.memref_slice %arg8[%mul3A_11, %dma_wait3A_26] : memref<10240x16xf32, #tpu.memory_space<vmem_shared>> -> memref<640x16xf32, #tpu.memory_space<vmem_shared>>
      tpu.wait_dma2 semaphore(%run_scoped3A : memref<!tpu.dma_semaphore, #tpu.memory_space<semaphore_mem>>) src(%dma_wait3A_27 : memref<640x16xf32, #tpu.memory_space<vmem_shared>>) dst(%dma_wait3A_25 : memref<640x16xf32, #tpu.memory_space<hbm>>)
      tpu.yield
    }) : () -> ()
    return
  }
}

#map = affine_map<(d0, d1) -> (0, 0)>
#map1 = affine_map<(d0, d1) -> (0, 0, 0)>
module attributes {stable_mosaic.version = 14 : i64} {
  func.func @_colsplit_body(%arg0: i32, %arg1: i32, %arg2: memref<20000x64xf32, #tpu.memory_space<hbm>>, %arg3: memref<2x2560x128xi32, #tpu.memory_space<hbm>>, %arg4: memref<2560x128xi32, #tpu.memory_space<hbm>>, %arg5: memref<640x64xf32, #tpu.memory_space<hbm>>, %arg6: memref<2x10240x64xf32, #tpu.memory_space<hbm>>, %arg7: memref<160x128xi32, #tpu.memory_space<vmem>>, %arg8: memref<160x128xi32, #tpu.memory_space<vmem>>, %arg9: memref<128x64xf32, #tpu.memory_space<vmem>>, %arg10: memref<128x64xf32, #tpu.memory_space<vmem>>, %arg11: memref<10240x64xf32, #tpu.memory_space<vmem_shared>>, %arg12: memref<!tpu.dma_semaphore, #tpu.memory_space<semaphore_mem>>, %arg13: memref<!tpu.dma_semaphore, #tpu.memory_space<semaphore_mem>>) attributes {dimension_semantics = [#tpu.dimension_semantics<core_parallel>, #tpu.dimension_semantics<subcore_parallel>], iteration_bounds = array<i64: 2, 16>, scalar_prefetch = 0 : i64, scratch_operands = 7 : i64, tpu.core_type = #tpu.core_type<sc_vector_subcore>, window_params = [{transform_indices = #map}, {transform_indices = #map1}, {transform_indices = #map}, {transform_indices = #map}, {transform_indices = #map1}]} {
    %mul3A = arith.constant 640 : i32
    %mul3A_0 = arith.muli %arg1, %mul3A : i32
    "tpu.region"() ({
      %run_scoped3A = tpu.sem_alloc : memref<!tpu.dma_semaphore, #tpu.memory_space<semaphore_mem>>
      %dma_start3A_20 = arith.constant 0 : i32
      %dma_start3A_21 = tpu.memref_slice %arg11[%mul3A_0, %dma_start3A_20] : memref<10240x64xf32, #tpu.memory_space<vmem_shared>> -> memref<640x64xf32, #tpu.memory_space<vmem_shared>>
      tpu.enqueue_dma source(%arg5 : memref<640x64xf32, #tpu.memory_space<hbm>>) target(%dma_start3A_21 : memref<640x64xf32, #tpu.memory_space<vmem_shared>>) target_semaphore(%run_scoped3A : memref<!tpu.dma_semaphore, #tpu.memory_space<semaphore_mem>>)
      %dma_wait3A = arith.constant 0 : i32
      %dma_wait3A_22 = tpu.memref_slice %arg11[%mul3A_0, %dma_wait3A] : memref<10240x64xf32, #tpu.memory_space<vmem_shared>> -> memref<640x64xf32, #tpu.memory_space<vmem_shared>>
      tpu.wait_dma2 semaphore(%run_scoped3A : memref<!tpu.dma_semaphore, #tpu.memory_space<semaphore_mem>>) src(%arg5 : memref<640x64xf32, #tpu.memory_space<hbm>>) dst(%dma_wait3A_22 : memref<640x64xf32, #tpu.memory_space<vmem_shared>>)
      tpu.yield
    }) : () -> ()
    %mul3A_1 = arith.constant 160 : i32
    %mul3A_2 = arith.muli %arg1, %mul3A_1 : i32
    "tpu.region"() ({
      %run_scoped3A = tpu.sem_alloc : memref<!tpu.dma_semaphore, #tpu.memory_space<semaphore_mem>>
      %dma_start3A_20 = arith.constant 0 : i32
      %dma_start3A_21 = arith.constant 0 : i32
      %dma_start3A_22 = tpu.memref_slice %arg3[%arg0, %dma_start3A_20, %dma_start3A_21] : memref<2x2560x128xi32, #tpu.memory_space<hbm>> -> memref<1x2560x128xi32, #tpu.memory_space<hbm>>
      %dma_start3A_23 = tpu.memref_squeeze %dma_start3A_22 : memref<1x2560x128xi32, #tpu.memory_space<hbm>> -> memref<2560x128xi32, #tpu.memory_space<hbm>>
      %dma_start3A_24 = arith.constant 0 : i32
      %dma_start3A_25 = tpu.memref_slice %dma_start3A_23[%mul3A_2, %dma_start3A_24] : memref<2560x128xi32, #tpu.memory_space<hbm>> -> memref<160x128xi32, #tpu.memory_space<hbm>>
      %dma_start3A_26 = arith.constant 0 : i32
      %dma_start3A_27 = arith.constant 0 : i32
      %dma_start3A_28 = tpu.memref_slice %arg3[%arg0, %dma_start3A_26, %dma_start3A_27] : memref<2x2560x128xi32, #tpu.memory_space<hbm>> -> memref<1x2560x128xi32, #tpu.memory_space<hbm>>
      %dma_start3A_29 = tpu.memref_squeeze %dma_start3A_28 : memref<1x2560x128xi32, #tpu.memory_space<hbm>> -> memref<2560x128xi32, #tpu.memory_space<hbm>>
      %dma_start3A_30 = arith.constant 0 : i32
      %dma_start3A_31 = tpu.memref_slice %dma_start3A_29[%mul3A_2, %dma_start3A_30] : memref<2560x128xi32, #tpu.memory_space<hbm>> -> memref<160x128xi32, #tpu.memory_space<hbm>>
      tpu.enqueue_dma source(%dma_start3A_31 : memref<160x128xi32, #tpu.memory_space<hbm>>) target(%arg7 : memref<160x128xi32, #tpu.memory_space<vmem>>) target_semaphore(%run_scoped3A : memref<!tpu.dma_semaphore, #tpu.memory_space<semaphore_mem>>)
      %dma_wait3A = arith.constant 0 : i32
      %dma_wait3A_32 = arith.constant 0 : i32
      %dma_wait3A_33 = tpu.memref_slice %arg3[%arg0, %dma_wait3A, %dma_wait3A_32] : memref<2x2560x128xi32, #tpu.memory_space<hbm>> -> memref<1x2560x128xi32, #tpu.memory_space<hbm>>
      %dma_wait3A_34 = tpu.memref_squeeze %dma_wait3A_33 : memref<1x2560x128xi32, #tpu.memory_space<hbm>> -> memref<2560x128xi32, #tpu.memory_space<hbm>>
      %dma_wait3A_35 = arith.constant 0 : i32
      %dma_wait3A_36 = tpu.memref_slice %dma_wait3A_34[%mul3A_2, %dma_wait3A_35] : memref<2560x128xi32, #tpu.memory_space<hbm>> -> memref<160x128xi32, #tpu.memory_space<hbm>>
      %dma_wait3A_37 = arith.constant 0 : i32
      %dma_wait3A_38 = arith.constant 0 : i32
      %dma_wait3A_39 = tpu.memref_slice %arg3[%arg0, %dma_wait3A_37, %dma_wait3A_38] : memref<2x2560x128xi32, #tpu.memory_space<hbm>> -> memref<1x2560x128xi32, #tpu.memory_space<hbm>>
      %dma_wait3A_40 = tpu.memref_squeeze %dma_wait3A_39 : memref<1x2560x128xi32, #tpu.memory_space<hbm>> -> memref<2560x128xi32, #tpu.memory_space<hbm>>
      %dma_wait3A_41 = arith.constant 0 : i32
      %dma_wait3A_42 = tpu.memref_slice %dma_wait3A_40[%mul3A_2, %dma_wait3A_41] : memref<2560x128xi32, #tpu.memory_space<hbm>> -> memref<160x128xi32, #tpu.memory_space<hbm>>
      tpu.wait_dma2 semaphore(%run_scoped3A : memref<!tpu.dma_semaphore, #tpu.memory_space<semaphore_mem>>) src(%dma_wait3A_42 : memref<160x128xi32, #tpu.memory_space<hbm>>) dst(%arg7 : memref<160x128xi32, #tpu.memory_space<vmem>>)
      tpu.yield
    }) : () -> ()
    %mul3A_3 = arith.constant 160 : i32
    %mul3A_4 = arith.muli %arg1, %mul3A_3 : i32
    "tpu.region"() ({
      %run_scoped3A = tpu.sem_alloc : memref<!tpu.dma_semaphore, #tpu.memory_space<semaphore_mem>>
      %dma_start3A_20 = arith.constant 0 : i32
      %dma_start3A_21 = tpu.memref_slice %arg4[%mul3A_4, %dma_start3A_20] : memref<2560x128xi32, #tpu.memory_space<hbm>> -> memref<160x128xi32, #tpu.memory_space<hbm>>
      %dma_start3A_22 = arith.constant 0 : i32
      %dma_start3A_23 = tpu.memref_slice %arg4[%mul3A_4, %dma_start3A_22] : memref<2560x128xi32, #tpu.memory_space<hbm>> -> memref<160x128xi32, #tpu.memory_space<hbm>>
      tpu.enqueue_dma source(%dma_start3A_23 : memref<160x128xi32, #tpu.memory_space<hbm>>) target(%arg8 : memref<160x128xi32, #tpu.memory_space<vmem>>) target_semaphore(%run_scoped3A : memref<!tpu.dma_semaphore, #tpu.memory_space<semaphore_mem>>)
      %dma_wait3A = arith.constant 0 : i32
      %dma_wait3A_24 = tpu.memref_slice %arg4[%mul3A_4, %dma_wait3A] : memref<2560x128xi32, #tpu.memory_space<hbm>> -> memref<160x128xi32, #tpu.memory_space<hbm>>
      %dma_wait3A_25 = arith.constant 0 : i32
      %dma_wait3A_26 = tpu.memref_slice %arg4[%mul3A_4, %dma_wait3A_25] : memref<2560x128xi32, #tpu.memory_space<hbm>> -> memref<160x128xi32, #tpu.memory_space<hbm>>
      tpu.wait_dma2 semaphore(%run_scoped3A : memref<!tpu.dma_semaphore, #tpu.memory_space<semaphore_mem>>) src(%dma_wait3A_26 : memref<160x128xi32, #tpu.memory_space<hbm>>) dst(%arg8 : memref<160x128xi32, #tpu.memory_space<vmem>>)
      tpu.yield
    }) : () -> ()
    %barrier3A = arith.constant 0 : index
    tpu.barrier barrier_id(%barrier3A)
    %dma_start3A = arith.constant 0 : i32
    %dma_start3A_5 = arith.constant 0 : i32
    %dma_start3A_6 = tpu.memref_slice %arg7[%dma_start3A, %dma_start3A_5] : memref<160x128xi32, #tpu.memory_space<vmem>> -> memref<1x128xi32, #tpu.memory_space<vmem>>
    %dma_start3A_7 = tpu.memref_squeeze %dma_start3A_6 : memref<1x128xi32, #tpu.memory_space<vmem>> -> memref<128xi32, #tpu.memory_space<vmem>>
    %dma_start3A_8 = arith.constant 0 : i32
    %dma_start3A_9 = arith.constant 0 : i32
    %dma_start3A_10 = tpu.memref_slice %arg2[%dma_start3A_8, %dma_start3A_9] : memref<20000x64xf32, #tpu.memory_space<hbm>> -> memref<20000x64xf32, #tpu.memory_space<hbm>>
    tpu.enqueue_indirect_dma source(%dma_start3A_10 : memref<20000x64xf32, #tpu.memory_space<hbm>>) target(%arg9 : memref<128x64xf32, #tpu.memory_space<vmem>>) offsets(%dma_start3A_7 : memref<128xi32, #tpu.memory_space<vmem>>) semaphore(%arg12 : memref<!tpu.dma_semaphore, #tpu.memory_space<semaphore_mem>>)
    %scan3A = arith.constant 0 : i32
    %scan3A_11 = arith.constant 80 : i32
    %scan3A_12 = arith.addi %scan3A, %scan3A_11 : i32
    %scan3A_13 = arith.constant 1 : i32
    scf.for %scan3A_20 = %scan3A to %scan3A_12 step %scan3A_13  : i32 {
      %mul3A_21 = arith.constant 2 : i32
      %mul3A_22 = arith.muli %scan3A_20, %mul3A_21 : i32
      %add3A = arith.constant 0 : i32
      %add3A_23 = arith.addi %add3A, %mul3A_22 : i32
      %add3A_24 = arith.constant 0 : i32
      %add3A_25 = arith.addi %add3A_23, %add3A_24 : i32
      %add3A_26 = arith.constant 1 : i32
      %add3A_27 = arith.addi %add3A_25, %add3A_26 : i32
      %lt3A = arith.constant 160 : i32
      %lt3A_28 = arith.cmpi slt, %add3A_27, %lt3A : i32
      %convert_element_type3A = arith.extui %lt3A_28 : i1 to i32
      %cond3A = arith.constant 0 : i32
      %cond3A_29 = arith.cmpi ne, %convert_element_type3A, %cond3A : i32
      scf.if %cond3A_29 {
        %add3A_50 = arith.constant 1 : i32
        %add3A_51 = arith.addi %add3A_25, %add3A_50 : i32
        %dma_start3A_52 = arith.constant 0 : i32
        %dma_start3A_53 = tpu.memref_slice %arg7[%add3A_51, %dma_start3A_52] : memref<160x128xi32, #tpu.memory_space<vmem>> -> memref<1x128xi32, #tpu.memory_space<vmem>>
        %dma_start3A_54 = tpu.memref_squeeze %dma_start3A_53 : memref<1x128xi32, #tpu.memory_space<vmem>> -> memref<128xi32, #tpu.memory_space<vmem>>
        %dma_start3A_55 = arith.constant 0 : i32
        %dma_start3A_56 = arith.constant 0 : i32
        %dma_start3A_57 = tpu.memref_slice %arg2[%dma_start3A_55, %dma_start3A_56] : memref<20000x64xf32, #tpu.memory_space<hbm>> -> memref<20000x64xf32, #tpu.memory_space<hbm>>
        tpu.enqueue_indirect_dma source(%dma_start3A_57 : memref<20000x64xf32, #tpu.memory_space<hbm>>) target(%arg10 : memref<128x64xf32, #tpu.memory_space<vmem>>) offsets(%dma_start3A_54 : memref<128xi32, #tpu.memory_space<vmem>>) semaphore(%arg13 : memref<!tpu.dma_semaphore, #tpu.memory_space<semaphore_mem>>)
      } else {
      }
      %dma_wait3A = arith.constant 0 : i32
      %dma_wait3A_30 = tpu.memref_slice %arg7[%add3A_25, %dma_wait3A] : memref<160x128xi32, #tpu.memory_space<vmem>> -> memref<1x128xi32, #tpu.memory_space<vmem>>
      %dma_wait3A_31 = tpu.memref_squeeze %dma_wait3A_30 : memref<1x128xi32, #tpu.memory_space<vmem>> -> memref<128xi32, #tpu.memory_space<vmem>>
      %dma_wait3A_32 = arith.constant 0 : i32
      %dma_wait3A_33 = arith.constant 0 : i32
      %dma_wait3A_34 = tpu.memref_slice %arg2[%dma_wait3A_32, %dma_wait3A_33] : memref<20000x64xf32, #tpu.memory_space<hbm>> -> memref<20000x64xf32, #tpu.memory_space<hbm>>
      tpu.wait_indirect_dma semaphore(%arg12 : memref<!tpu.dma_semaphore, #tpu.memory_space<semaphore_mem>>) src(%dma_wait3A_34 : memref<20000x64xf32, #tpu.memory_space<hbm>>) dst(%arg9 : memref<128x64xf32, #tpu.memory_space<vmem>>)
      "tpu.region"() ({
        %run_scoped3A = tpu.sem_alloc : memref<!tpu.dma_semaphore, #tpu.memory_space<semaphore_mem>>
        %dma_start3A_50 = arith.constant 0 : i32
        %dma_start3A_51 = tpu.memref_slice %arg8[%add3A_25, %dma_start3A_50] : memref<160x128xi32, #tpu.memory_space<vmem>> -> memref<1x128xi32, #tpu.memory_space<vmem>>
        %dma_start3A_52 = tpu.memref_squeeze %dma_start3A_51 : memref<1x128xi32, #tpu.memory_space<vmem>> -> memref<128xi32, #tpu.memory_space<vmem>>
        %dma_start3A_53 = arith.constant 0 : i32
        %dma_start3A_54 = arith.constant 0 : i32
        %dma_start3A_55 = tpu.memref_slice %arg11[%dma_start3A_53, %dma_start3A_54] : memref<10240x64xf32, #tpu.memory_space<vmem_shared>> -> memref<10240x64xf32, #tpu.memory_space<vmem_shared>>
        tpu.enqueue_indirect_dma source(%arg9 : memref<128x64xf32, #tpu.memory_space<vmem>>) target(%dma_start3A_55 : memref<10240x64xf32, #tpu.memory_space<vmem_shared>>) offsets(%dma_start3A_52 : memref<128xi32, #tpu.memory_space<vmem>>) semaphore(%run_scoped3A : memref<!tpu.dma_semaphore, #tpu.memory_space<semaphore_mem>>) {add = true}
        %dma_wait3A_56 = arith.constant 0 : i32
        %dma_wait3A_57 = tpu.memref_slice %arg8[%add3A_25, %dma_wait3A_56] : memref<160x128xi32, #tpu.memory_space<vmem>> -> memref<1x128xi32, #tpu.memory_space<vmem>>
        %dma_wait3A_58 = tpu.memref_squeeze %dma_wait3A_57 : memref<1x128xi32, #tpu.memory_space<vmem>> -> memref<128xi32, #tpu.memory_space<vmem>>
        %dma_wait3A_59 = arith.constant 0 : i32
        %dma_wait3A_60 = arith.constant 0 : i32
        %dma_wait3A_61 = tpu.memref_slice %arg11[%dma_wait3A_59, %dma_wait3A_60] : memref<10240x64xf32, #tpu.memory_space<vmem_shared>> -> memref<10240x64xf32, #tpu.memory_space<vmem_shared>>
        tpu.wait_indirect_dma semaphore(%run_scoped3A : memref<!tpu.dma_semaphore, #tpu.memory_space<semaphore_mem>>) src(%arg9 : memref<128x64xf32, #tpu.memory_space<vmem>>) dst(%dma_wait3A_61 : memref<10240x64xf32, #tpu.memory_space<vmem_shared>>)
        tpu.yield
      }) : () -> ()
      %add3A_35 = arith.constant 1 : i32
      %add3A_36 = arith.addi %add3A_23, %add3A_35 : i32
      %add3A_37 = arith.constant 1 : i32
      %add3A_38 = arith.addi %add3A_36, %add3A_37 : i32
      %lt3A_39 = arith.constant 160 : i32
      %lt3A_40 = arith.cmpi slt, %add3A_38, %lt3A_39 : i32
      %convert_element_type3A_41 = arith.extui %lt3A_40 : i1 to i32
      %cond3A_42 = arith.constant 0 : i32
      %cond3A_43 = arith.cmpi ne, %convert_element_type3A_41, %cond3A_42 : i32
      scf.if %cond3A_43 {
        %add3A_50 = arith.constant 1 : i32
        %add3A_51 = arith.addi %add3A_36, %add3A_50 : i32
        %dma_start3A_52 = arith.constant 0 : i32
        %dma_start3A_53 = tpu.memref_slice %arg7[%add3A_51, %dma_start3A_52] : memref<160x128xi32, #tpu.memory_space<vmem>> -> memref<1x128xi32, #tpu.memory_space<vmem>>
        %dma_start3A_54 = tpu.memref_squeeze %dma_start3A_53 : memref<1x128xi32, #tpu.memory_space<vmem>> -> memref<128xi32, #tpu.memory_space<vmem>>
        %dma_start3A_55 = arith.constant 0 : i32
        %dma_start3A_56 = arith.constant 0 : i32
        %dma_start3A_57 = tpu.memref_slice %arg2[%dma_start3A_55, %dma_start3A_56] : memref<20000x64xf32, #tpu.memory_space<hbm>> -> memref<20000x64xf32, #tpu.memory_space<hbm>>
        tpu.enqueue_indirect_dma source(%dma_start3A_57 : memref<20000x64xf32, #tpu.memory_space<hbm>>) target(%arg9 : memref<128x64xf32, #tpu.memory_space<vmem>>) offsets(%dma_start3A_54 : memref<128xi32, #tpu.memory_space<vmem>>) semaphore(%arg12 : memref<!tpu.dma_semaphore, #tpu.memory_space<semaphore_mem>>)
      } else {
      }
      %dma_wait3A_44 = arith.constant 0 : i32
      %dma_wait3A_45 = tpu.memref_slice %arg7[%add3A_36, %dma_wait3A_44] : memref<160x128xi32, #tpu.memory_space<vmem>> -> memref<1x128xi32, #tpu.memory_space<vmem>>
      %dma_wait3A_46 = tpu.memref_squeeze %dma_wait3A_45 : memref<1x128xi32, #tpu.memory_space<vmem>> -> memref<128xi32, #tpu.memory_space<vmem>>
      %dma_wait3A_47 = arith.constant 0 : i32
      %dma_wait3A_48 = arith.constant 0 : i32
      %dma_wait3A_49 = tpu.memref_slice %arg2[%dma_wait3A_47, %dma_wait3A_48] : memref<20000x64xf32, #tpu.memory_space<hbm>> -> memref<20000x64xf32, #tpu.memory_space<hbm>>
      tpu.wait_indirect_dma semaphore(%arg13 : memref<!tpu.dma_semaphore, #tpu.memory_space<semaphore_mem>>) src(%dma_wait3A_49 : memref<20000x64xf32, #tpu.memory_space<hbm>>) dst(%arg10 : memref<128x64xf32, #tpu.memory_space<vmem>>)
      "tpu.region"() ({
        %run_scoped3A = tpu.sem_alloc : memref<!tpu.dma_semaphore, #tpu.memory_space<semaphore_mem>>
        %dma_start3A_50 = arith.constant 0 : i32
        %dma_start3A_51 = tpu.memref_slice %arg8[%add3A_36, %dma_start3A_50] : memref<160x128xi32, #tpu.memory_space<vmem>> -> memref<1x128xi32, #tpu.memory_space<vmem>>
        %dma_start3A_52 = tpu.memref_squeeze %dma_start3A_51 : memref<1x128xi32, #tpu.memory_space<vmem>> -> memref<128xi32, #tpu.memory_space<vmem>>
        %dma_start3A_53 = arith.constant 0 : i32
        %dma_start3A_54 = arith.constant 0 : i32
        %dma_start3A_55 = tpu.memref_slice %arg11[%dma_start3A_53, %dma_start3A_54] : memref<10240x64xf32, #tpu.memory_space<vmem_shared>> -> memref<10240x64xf32, #tpu.memory_space<vmem_shared>>
        tpu.enqueue_indirect_dma source(%arg10 : memref<128x64xf32, #tpu.memory_space<vmem>>) target(%dma_start3A_55 : memref<10240x64xf32, #tpu.memory_space<vmem_shared>>) offsets(%dma_start3A_52 : memref<128xi32, #tpu.memory_space<vmem>>) semaphore(%run_scoped3A : memref<!tpu.dma_semaphore, #tpu.memory_space<semaphore_mem>>) {add = true}
        %dma_wait3A_56 = arith.constant 0 : i32
        %dma_wait3A_57 = tpu.memref_slice %arg8[%add3A_36, %dma_wait3A_56] : memref<160x128xi32, #tpu.memory_space<vmem>> -> memref<1x128xi32, #tpu.memory_space<vmem>>
        %dma_wait3A_58 = tpu.memref_squeeze %dma_wait3A_57 : memref<1x128xi32, #tpu.memory_space<vmem>> -> memref<128xi32, #tpu.memory_space<vmem>>
        %dma_wait3A_59 = arith.constant 0 : i32
        %dma_wait3A_60 = arith.constant 0 : i32
        %dma_wait3A_61 = tpu.memref_slice %arg11[%dma_wait3A_59, %dma_wait3A_60] : memref<10240x64xf32, #tpu.memory_space<vmem_shared>> -> memref<10240x64xf32, #tpu.memory_space<vmem_shared>>
        tpu.wait_indirect_dma semaphore(%run_scoped3A : memref<!tpu.dma_semaphore, #tpu.memory_space<semaphore_mem>>) src(%arg10 : memref<128x64xf32, #tpu.memory_space<vmem>>) dst(%dma_wait3A_61 : memref<10240x64xf32, #tpu.memory_space<vmem_shared>>)
        tpu.yield
      }) : () -> ()
    }
    %scan3A_14 = arith.constant 80 : i32
    %barrier3A_15 = arith.constant 0 : index
    tpu.barrier barrier_id(%barrier3A_15)
    %mul3A_16 = arith.constant 640 : i32
    %mul3A_17 = arith.muli %arg1, %mul3A_16 : i32
    %mul3A_18 = arith.constant 640 : i32
    %mul3A_19 = arith.muli %arg1, %mul3A_18 : i32
    "tpu.region"() ({
      %run_scoped3A = tpu.sem_alloc : memref<!tpu.dma_semaphore, #tpu.memory_space<semaphore_mem>>
      %dma_start3A_20 = arith.constant 0 : i32
      %dma_start3A_21 = arith.constant 0 : i32
      %dma_start3A_22 = tpu.memref_slice %arg6[%arg0, %dma_start3A_20, %dma_start3A_21] : memref<2x10240x64xf32, #tpu.memory_space<hbm>> -> memref<1x10240x64xf32, #tpu.memory_space<hbm>>
      %dma_start3A_23 = tpu.memref_squeeze %dma_start3A_22 : memref<1x10240x64xf32, #tpu.memory_space<hbm>> -> memref<10240x64xf32, #tpu.memory_space<hbm>>
      %dma_start3A_24 = arith.constant 0 : i32
      %dma_start3A_25 = tpu.memref_slice %dma_start3A_23[%mul3A_19, %dma_start3A_24] : memref<10240x64xf32, #tpu.memory_space<hbm>> -> memref<640x64xf32, #tpu.memory_space<hbm>>
      %dma_start3A_26 = arith.constant 0 : i32
      %dma_start3A_27 = tpu.memref_slice %arg11[%mul3A_17, %dma_start3A_26] : memref<10240x64xf32, #tpu.memory_space<vmem_shared>> -> memref<640x64xf32, #tpu.memory_space<vmem_shared>>
      tpu.enqueue_dma source(%dma_start3A_27 : memref<640x64xf32, #tpu.memory_space<vmem_shared>>) target(%dma_start3A_25 : memref<640x64xf32, #tpu.memory_space<hbm>>) target_semaphore(%run_scoped3A : memref<!tpu.dma_semaphore, #tpu.memory_space<semaphore_mem>>)
      %dma_wait3A = arith.constant 0 : i32
      %dma_wait3A_28 = arith.constant 0 : i32
      %dma_wait3A_29 = tpu.memref_slice %arg6[%arg0, %dma_wait3A, %dma_wait3A_28] : memref<2x10240x64xf32, #tpu.memory_space<hbm>> -> memref<1x10240x64xf32, #tpu.memory_space<hbm>>
      %dma_wait3A_30 = tpu.memref_squeeze %dma_wait3A_29 : memref<1x10240x64xf32, #tpu.memory_space<hbm>> -> memref<10240x64xf32, #tpu.memory_space<hbm>>
      %dma_wait3A_31 = arith.constant 0 : i32
      %dma_wait3A_32 = tpu.memref_slice %dma_wait3A_30[%mul3A_19, %dma_wait3A_31] : memref<10240x64xf32, #tpu.memory_space<hbm>> -> memref<640x64xf32, #tpu.memory_space<hbm>>
      %dma_wait3A_33 = arith.constant 0 : i32
      %dma_wait3A_34 = tpu.memref_slice %arg11[%mul3A_17, %dma_wait3A_33] : memref<10240x64xf32, #tpu.memory_space<vmem_shared>> -> memref<640x64xf32, #tpu.memory_space<vmem_shared>>
      tpu.wait_dma2 semaphore(%run_scoped3A : memref<!tpu.dma_semaphore, #tpu.memory_space<semaphore_mem>>) src(%dma_wait3A_34 : memref<640x64xf32, #tpu.memory_space<vmem_shared>>) dst(%dma_wait3A_32 : memref<640x64xf32, #tpu.memory_space<hbm>>)
      tpu.yield
    }) : () -> ()
    return
  }
}

#map = affine_map<(d0, d1) -> (0, 0)>
#map1 = affine_map<(d0, d1) -> (0, 0, 0)>
module attributes {stable_mosaic.version = 14 : i64} {
  func.func @_colsplit_body(%arg0: i32, %arg1: i32, %arg2: memref<20000x64xf32, #tpu.memory_space<hbm>>, %arg3: memref<2x2560x128xi32, #tpu.memory_space<hbm>>, %arg4: memref<2560x128xi32, #tpu.memory_space<hbm>>, %arg5: memref<640x64xf32, #tpu.memory_space<hbm>>, %arg6: memref<2x10240x64xf32, #tpu.memory_space<hbm>>, %arg7: memref<160x128xi32, #tpu.memory_space<vmem>>, %arg8: memref<160x128xi32, #tpu.memory_space<vmem>>, %arg9: memref<128x64xf32, #tpu.memory_space<vmem>>, %arg10: memref<128x64xf32, #tpu.memory_space<vmem>>, %arg11: memref<10240x64xf32, #tpu.memory_space<vmem_shared>>, %arg12: memref<!tpu.dma_semaphore, #tpu.memory_space<semaphore_mem>>, %arg13: memref<!tpu.dma_semaphore, #tpu.memory_space<semaphore_mem>>) attributes {dimension_semantics = [#tpu.dimension_semantics<core_parallel>, #tpu.dimension_semantics<subcore_parallel>], iteration_bounds = array<i64: 2, 16>, scalar_prefetch = 0 : i64, scratch_operands = 7 : i64, tpu.core_type = #tpu.core_type<sc_vector_subcore>, window_params = [{transform_indices = #map}, {transform_indices = #map1}, {transform_indices = #map}, {transform_indices = #map}, {transform_indices = #map1}]} {
    %mul3A = arith.constant 640 : i32
    %mul3A_0 = arith.muli %arg1, %mul3A : i32
    "tpu.region"() ({
      %run_scoped3A = tpu.sem_alloc : memref<!tpu.dma_semaphore, #tpu.memory_space<semaphore_mem>>
      %dma_start3A_20 = arith.constant 0 : i32
      %dma_start3A_21 = tpu.memref_slice %arg11[%mul3A_0, %dma_start3A_20] : memref<10240x64xf32, #tpu.memory_space<vmem_shared>> -> memref<640x64xf32, #tpu.memory_space<vmem_shared>>
      tpu.enqueue_dma source(%arg5 : memref<640x64xf32, #tpu.memory_space<hbm>>) target(%dma_start3A_21 : memref<640x64xf32, #tpu.memory_space<vmem_shared>>) target_semaphore(%run_scoped3A : memref<!tpu.dma_semaphore, #tpu.memory_space<semaphore_mem>>)
      %dma_wait3A = arith.constant 0 : i32
      %dma_wait3A_22 = tpu.memref_slice %arg11[%mul3A_0, %dma_wait3A] : memref<10240x64xf32, #tpu.memory_space<vmem_shared>> -> memref<640x64xf32, #tpu.memory_space<vmem_shared>>
      tpu.wait_dma2 semaphore(%run_scoped3A : memref<!tpu.dma_semaphore, #tpu.memory_space<semaphore_mem>>) src(%arg5 : memref<640x64xf32, #tpu.memory_space<hbm>>) dst(%dma_wait3A_22 : memref<640x64xf32, #tpu.memory_space<vmem_shared>>)
      tpu.yield
    }) : () -> ()
    %mul3A_1 = arith.constant 160 : i32
    %mul3A_2 = arith.muli %arg1, %mul3A_1 : i32
    "tpu.region"() ({
      %run_scoped3A = tpu.sem_alloc : memref<!tpu.dma_semaphore, #tpu.memory_space<semaphore_mem>>
      %dma_start3A_20 = arith.constant 0 : i32
      %dma_start3A_21 = arith.constant 0 : i32
      %dma_start3A_22 = tpu.memref_slice %arg3[%arg0, %dma_start3A_20, %dma_start3A_21] : memref<2x2560x128xi32, #tpu.memory_space<hbm>> -> memref<1x2560x128xi32, #tpu.memory_space<hbm>>
      %dma_start3A_23 = tpu.memref_squeeze %dma_start3A_22 : memref<1x2560x128xi32, #tpu.memory_space<hbm>> -> memref<2560x128xi32, #tpu.memory_space<hbm>>
      %dma_start3A_24 = arith.constant 0 : i32
      %dma_start3A_25 = tpu.memref_slice %dma_start3A_23[%mul3A_2, %dma_start3A_24] : memref<2560x128xi32, #tpu.memory_space<hbm>> -> memref<160x128xi32, #tpu.memory_space<hbm>>
      %dma_start3A_26 = arith.constant 0 : i32
      %dma_start3A_27 = arith.constant 0 : i32
      %dma_start3A_28 = tpu.memref_slice %arg3[%arg0, %dma_start3A_26, %dma_start3A_27] : memref<2x2560x128xi32, #tpu.memory_space<hbm>> -> memref<1x2560x128xi32, #tpu.memory_space<hbm>>
      %dma_start3A_29 = tpu.memref_squeeze %dma_start3A_28 : memref<1x2560x128xi32, #tpu.memory_space<hbm>> -> memref<2560x128xi32, #tpu.memory_space<hbm>>
      %dma_start3A_30 = arith.constant 0 : i32
      %dma_start3A_31 = tpu.memref_slice %dma_start3A_29[%mul3A_2, %dma_start3A_30] : memref<2560x128xi32, #tpu.memory_space<hbm>> -> memref<160x128xi32, #tpu.memory_space<hbm>>
      tpu.enqueue_dma source(%dma_start3A_31 : memref<160x128xi32, #tpu.memory_space<hbm>>) target(%arg7 : memref<160x128xi32, #tpu.memory_space<vmem>>) target_semaphore(%run_scoped3A : memref<!tpu.dma_semaphore, #tpu.memory_space<semaphore_mem>>)
      %dma_wait3A = arith.constant 0 : i32
      %dma_wait3A_32 = arith.constant 0 : i32
      %dma_wait3A_33 = tpu.memref_slice %arg3[%arg0, %dma_wait3A, %dma_wait3A_32] : memref<2x2560x128xi32, #tpu.memory_space<hbm>> -> memref<1x2560x128xi32, #tpu.memory_space<hbm>>
      %dma_wait3A_34 = tpu.memref_squeeze %dma_wait3A_33 : memref<1x2560x128xi32, #tpu.memory_space<hbm>> -> memref<2560x128xi32, #tpu.memory_space<hbm>>
      %dma_wait3A_35 = arith.constant 0 : i32
      %dma_wait3A_36 = tpu.memref_slice %dma_wait3A_34[%mul3A_2, %dma_wait3A_35] : memref<2560x128xi32, #tpu.memory_space<hbm>> -> memref<160x128xi32, #tpu.memory_space<hbm>>
      %dma_wait3A_37 = arith.constant 0 : i32
      %dma_wait3A_38 = arith.constant 0 : i32
      %dma_wait3A_39 = tpu.memref_slice %arg3[%arg0, %dma_wait3A_37, %dma_wait3A_38] : memref<2x2560x128xi32, #tpu.memory_space<hbm>> -> memref<1x2560x128xi32, #tpu.memory_space<hbm>>
      %dma_wait3A_40 = tpu.memref_squeeze %dma_wait3A_39 : memref<1x2560x128xi32, #tpu.memory_space<hbm>> -> memref<2560x128xi32, #tpu.memory_space<hbm>>
      %dma_wait3A_41 = arith.constant 0 : i32
      %dma_wait3A_42 = tpu.memref_slice %dma_wait3A_40[%mul3A_2, %dma_wait3A_41] : memref<2560x128xi32, #tpu.memory_space<hbm>> -> memref<160x128xi32, #tpu.memory_space<hbm>>
      tpu.wait_dma2 semaphore(%run_scoped3A : memref<!tpu.dma_semaphore, #tpu.memory_space<semaphore_mem>>) src(%dma_wait3A_42 : memref<160x128xi32, #tpu.memory_space<hbm>>) dst(%arg7 : memref<160x128xi32, #tpu.memory_space<vmem>>)
      tpu.yield
    }) : () -> ()
    %mul3A_3 = arith.constant 160 : i32
    %mul3A_4 = arith.muli %arg1, %mul3A_3 : i32
    "tpu.region"() ({
      %run_scoped3A = tpu.sem_alloc : memref<!tpu.dma_semaphore, #tpu.memory_space<semaphore_mem>>
      %dma_start3A_20 = arith.constant 0 : i32
      %dma_start3A_21 = tpu.memref_slice %arg4[%mul3A_4, %dma_start3A_20] : memref<2560x128xi32, #tpu.memory_space<hbm>> -> memref<160x128xi32, #tpu.memory_space<hbm>>
      %dma_start3A_22 = arith.constant 0 : i32
      %dma_start3A_23 = tpu.memref_slice %arg4[%mul3A_4, %dma_start3A_22] : memref<2560x128xi32, #tpu.memory_space<hbm>> -> memref<160x128xi32, #tpu.memory_space<hbm>>
      tpu.enqueue_dma source(%dma_start3A_23 : memref<160x128xi32, #tpu.memory_space<hbm>>) target(%arg8 : memref<160x128xi32, #tpu.memory_space<vmem>>) target_semaphore(%run_scoped3A : memref<!tpu.dma_semaphore, #tpu.memory_space<semaphore_mem>>)
      %dma_wait3A = arith.constant 0 : i32
      %dma_wait3A_24 = tpu.memref_slice %arg4[%mul3A_4, %dma_wait3A] : memref<2560x128xi32, #tpu.memory_space<hbm>> -> memref<160x128xi32, #tpu.memory_space<hbm>>
      %dma_wait3A_25 = arith.constant 0 : i32
      %dma_wait3A_26 = tpu.memref_slice %arg4[%mul3A_4, %dma_wait3A_25] : memref<2560x128xi32, #tpu.memory_space<hbm>> -> memref<160x128xi32, #tpu.memory_space<hbm>>
      tpu.wait_dma2 semaphore(%run_scoped3A : memref<!tpu.dma_semaphore, #tpu.memory_space<semaphore_mem>>) src(%dma_wait3A_26 : memref<160x128xi32, #tpu.memory_space<hbm>>) dst(%arg8 : memref<160x128xi32, #tpu.memory_space<vmem>>)
      tpu.yield
    }) : () -> ()
    %barrier3A = arith.constant 0 : index
    tpu.barrier barrier_id(%barrier3A)
    %dma_start3A = arith.constant 0 : i32
    %dma_start3A_5 = arith.constant 0 : i32
    %dma_start3A_6 = tpu.memref_slice %arg7[%dma_start3A, %dma_start3A_5] : memref<160x128xi32, #tpu.memory_space<vmem>> -> memref<1x128xi32, #tpu.memory_space<vmem>>
    %dma_start3A_7 = tpu.memref_squeeze %dma_start3A_6 : memref<1x128xi32, #tpu.memory_space<vmem>> -> memref<128xi32, #tpu.memory_space<vmem>>
    %dma_start3A_8 = arith.constant 0 : i32
    %dma_start3A_9 = arith.constant 0 : i32
    %dma_start3A_10 = tpu.memref_slice %arg2[%dma_start3A_8, %dma_start3A_9] : memref<20000x64xf32, #tpu.memory_space<hbm>> -> memref<20000x64xf32, #tpu.memory_space<hbm>>
    tpu.enqueue_indirect_dma source(%dma_start3A_10 : memref<20000x64xf32, #tpu.memory_space<hbm>>) target(%arg9 : memref<128x64xf32, #tpu.memory_space<vmem>>) offsets(%dma_start3A_7 : memref<128xi32, #tpu.memory_space<vmem>>) semaphore(%arg12 : memref<!tpu.dma_semaphore, #tpu.memory_space<semaphore_mem>>)
    %scan3A = arith.constant 0 : i32
    %scan3A_11 = arith.constant 80 : i32
    %scan3A_12 = arith.addi %scan3A, %scan3A_11 : i32
    %scan3A_13 = arith.constant 1 : i32
    scf.for %scan3A_20 = %scan3A to %scan3A_12 step %scan3A_13  : i32 {
      %mul3A_21 = arith.constant 2 : i32
      %mul3A_22 = arith.muli %scan3A_20, %mul3A_21 : i32
      %add3A = arith.constant 0 : i32
      %add3A_23 = arith.addi %add3A, %mul3A_22 : i32
      %add3A_24 = arith.constant 0 : i32
      %add3A_25 = arith.addi %add3A_23, %add3A_24 : i32
      %add3A_26 = arith.constant 1 : i32
      %add3A_27 = arith.addi %add3A_25, %add3A_26 : i32
      %lt3A = arith.constant 160 : i32
      %lt3A_28 = arith.cmpi slt, %add3A_27, %lt3A : i32
      %convert_element_type3A = arith.extui %lt3A_28 : i1 to i32
      %cond3A = arith.constant 0 : i32
      %cond3A_29 = arith.cmpi ne, %convert_element_type3A, %cond3A : i32
      scf.if %cond3A_29 {
        %add3A_50 = arith.constant 1 : i32
        %add3A_51 = arith.addi %add3A_25, %add3A_50 : i32
        %dma_start3A_52 = arith.constant 0 : i32
        %dma_start3A_53 = tpu.memref_slice %arg7[%add3A_51, %dma_start3A_52] : memref<160x128xi32, #tpu.memory_space<vmem>> -> memref<1x128xi32, #tpu.memory_space<vmem>>
        %dma_start3A_54 = tpu.memref_squeeze %dma_start3A_53 : memref<1x128xi32, #tpu.memory_space<vmem>> -> memref<128xi32, #tpu.memory_space<vmem>>
        %dma_start3A_55 = arith.constant 0 : i32
        %dma_start3A_56 = arith.constant 0 : i32
        %dma_start3A_57 = tpu.memref_slice %arg2[%dma_start3A_55, %dma_start3A_56] : memref<20000x64xf32, #tpu.memory_space<hbm>> -> memref<20000x64xf32, #tpu.memory_space<hbm>>
        tpu.enqueue_indirect_dma source(%dma_start3A_57 : memref<20000x64xf32, #tpu.memory_space<hbm>>) target(%arg10 : memref<128x64xf32, #tpu.memory_space<vmem>>) offsets(%dma_start3A_54 : memref<128xi32, #tpu.memory_space<vmem>>) semaphore(%arg13 : memref<!tpu.dma_semaphore, #tpu.memory_space<semaphore_mem>>)
      } else {
      }
      %dma_wait3A = arith.constant 0 : i32
      %dma_wait3A_30 = tpu.memref_slice %arg7[%add3A_25, %dma_wait3A] : memref<160x128xi32, #tpu.memory_space<vmem>> -> memref<1x128xi32, #tpu.memory_space<vmem>>
      %dma_wait3A_31 = tpu.memref_squeeze %dma_wait3A_30 : memref<1x128xi32, #tpu.memory_space<vmem>> -> memref<128xi32, #tpu.memory_space<vmem>>
      %dma_wait3A_32 = arith.constant 0 : i32
      %dma_wait3A_33 = arith.constant 0 : i32
      %dma_wait3A_34 = tpu.memref_slice %arg2[%dma_wait3A_32, %dma_wait3A_33] : memref<20000x64xf32, #tpu.memory_space<hbm>> -> memref<20000x64xf32, #tpu.memory_space<hbm>>
      tpu.wait_indirect_dma semaphore(%arg12 : memref<!tpu.dma_semaphore, #tpu.memory_space<semaphore_mem>>) src(%dma_wait3A_34 : memref<20000x64xf32, #tpu.memory_space<hbm>>) dst(%arg9 : memref<128x64xf32, #tpu.memory_space<vmem>>)
      "tpu.region"() ({
        %run_scoped3A = tpu.sem_alloc : memref<!tpu.dma_semaphore, #tpu.memory_space<semaphore_mem>>
        %dma_start3A_50 = arith.constant 0 : i32
        %dma_start3A_51 = tpu.memref_slice %arg8[%add3A_25, %dma_start3A_50] : memref<160x128xi32, #tpu.memory_space<vmem>> -> memref<1x128xi32, #tpu.memory_space<vmem>>
        %dma_start3A_52 = tpu.memref_squeeze %dma_start3A_51 : memref<1x128xi32, #tpu.memory_space<vmem>> -> memref<128xi32, #tpu.memory_space<vmem>>
        %dma_start3A_53 = arith.constant 0 : i32
        %dma_start3A_54 = arith.constant 0 : i32
        %dma_start3A_55 = tpu.memref_slice %arg11[%dma_start3A_53, %dma_start3A_54] : memref<10240x64xf32, #tpu.memory_space<vmem_shared>> -> memref<10240x64xf32, #tpu.memory_space<vmem_shared>>
        tpu.enqueue_indirect_dma source(%arg9 : memref<128x64xf32, #tpu.memory_space<vmem>>) target(%dma_start3A_55 : memref<10240x64xf32, #tpu.memory_space<vmem_shared>>) offsets(%dma_start3A_52 : memref<128xi32, #tpu.memory_space<vmem>>) semaphore(%run_scoped3A : memref<!tpu.dma_semaphore, #tpu.memory_space<semaphore_mem>>) {add = true}
        %dma_wait3A_56 = arith.constant 0 : i32
        %dma_wait3A_57 = tpu.memref_slice %arg8[%add3A_25, %dma_wait3A_56] : memref<160x128xi32, #tpu.memory_space<vmem>> -> memref<1x128xi32, #tpu.memory_space<vmem>>
        %dma_wait3A_58 = tpu.memref_squeeze %dma_wait3A_57 : memref<1x128xi32, #tpu.memory_space<vmem>> -> memref<128xi32, #tpu.memory_space<vmem>>
        %dma_wait3A_59 = arith.constant 0 : i32
        %dma_wait3A_60 = arith.constant 0 : i32
        %dma_wait3A_61 = tpu.memref_slice %arg11[%dma_wait3A_59, %dma_wait3A_60] : memref<10240x64xf32, #tpu.memory_space<vmem_shared>> -> memref<10240x64xf32, #tpu.memory_space<vmem_shared>>
        tpu.wait_indirect_dma semaphore(%run_scoped3A : memref<!tpu.dma_semaphore, #tpu.memory_space<semaphore_mem>>) src(%arg9 : memref<128x64xf32, #tpu.memory_space<vmem>>) dst(%dma_wait3A_61 : memref<10240x64xf32, #tpu.memory_space<vmem_shared>>)
        tpu.yield
      }) : () -> ()
      %add3A_35 = arith.constant 1 : i32
      %add3A_36 = arith.addi %add3A_23, %add3A_35 : i32
      %add3A_37 = arith.constant 1 : i32
      %add3A_38 = arith.addi %add3A_36, %add3A_37 : i32
      %lt3A_39 = arith.constant 160 : i32
      %lt3A_40 = arith.cmpi slt, %add3A_38, %lt3A_39 : i32
      %convert_element_type3A_41 = arith.extui %lt3A_40 : i1 to i32
      %cond3A_42 = arith.constant 0 : i32
      %cond3A_43 = arith.cmpi ne, %convert_element_type3A_41, %cond3A_42 : i32
      scf.if %cond3A_43 {
        %add3A_50 = arith.constant 1 : i32
        %add3A_51 = arith.addi %add3A_36, %add3A_50 : i32
        %dma_start3A_52 = arith.constant 0 : i32
        %dma_start3A_53 = tpu.memref_slice %arg7[%add3A_51, %dma_start3A_52] : memref<160x128xi32, #tpu.memory_space<vmem>> -> memref<1x128xi32, #tpu.memory_space<vmem>>
        %dma_start3A_54 = tpu.memref_squeeze %dma_start3A_53 : memref<1x128xi32, #tpu.memory_space<vmem>> -> memref<128xi32, #tpu.memory_space<vmem>>
        %dma_start3A_55 = arith.constant 0 : i32
        %dma_start3A_56 = arith.constant 0 : i32
        %dma_start3A_57 = tpu.memref_slice %arg2[%dma_start3A_55, %dma_start3A_56] : memref<20000x64xf32, #tpu.memory_space<hbm>> -> memref<20000x64xf32, #tpu.memory_space<hbm>>
        tpu.enqueue_indirect_dma source(%dma_start3A_57 : memref<20000x64xf32, #tpu.memory_space<hbm>>) target(%arg9 : memref<128x64xf32, #tpu.memory_space<vmem>>) offsets(%dma_start3A_54 : memref<128xi32, #tpu.memory_space<vmem>>) semaphore(%arg12 : memref<!tpu.dma_semaphore, #tpu.memory_space<semaphore_mem>>)
      } else {
      }
      %dma_wait3A_44 = arith.constant 0 : i32
      %dma_wait3A_45 = tpu.memref_slice %arg7[%add3A_36, %dma_wait3A_44] : memref<160x128xi32, #tpu.memory_space<vmem>> -> memref<1x128xi32, #tpu.memory_space<vmem>>
      %dma_wait3A_46 = tpu.memref_squeeze %dma_wait3A_45 : memref<1x128xi32, #tpu.memory_space<vmem>> -> memref<128xi32, #tpu.memory_space<vmem>>
      %dma_wait3A_47 = arith.constant 0 : i32
      %dma_wait3A_48 = arith.constant 0 : i32
      %dma_wait3A_49 = tpu.memref_slice %arg2[%dma_wait3A_47, %dma_wait3A_48] : memref<20000x64xf32, #tpu.memory_space<hbm>> -> memref<20000x64xf32, #tpu.memory_space<hbm>>
      tpu.wait_indirect_dma semaphore(%arg13 : memref<!tpu.dma_semaphore, #tpu.memory_space<semaphore_mem>>) src(%dma_wait3A_49 : memref<20000x64xf32, #tpu.memory_space<hbm>>) dst(%arg10 : memref<128x64xf32, #tpu.memory_space<vmem>>)
      "tpu.region"() ({
        %run_scoped3A = tpu.sem_alloc : memref<!tpu.dma_semaphore, #tpu.memory_space<semaphore_mem>>
        %dma_start3A_50 = arith.constant 0 : i32
        %dma_start3A_51 = tpu.memref_slice %arg8[%add3A_36, %dma_start3A_50] : memref<160x128xi32, #tpu.memory_space<vmem>> -> memref<1x128xi32, #tpu.memory_space<vmem>>
        %dma_start3A_52 = tpu.memref_squeeze %dma_start3A_51 : memref<1x128xi32, #tpu.memory_space<vmem>> -> memref<128xi32, #tpu.memory_space<vmem>>
        %dma_start3A_53 = arith.constant 0 : i32
        %dma_start3A_54 = arith.constant 0 : i32
        %dma_start3A_55 = tpu.memref_slice %arg11[%dma_start3A_53, %dma_start3A_54] : memref<10240x64xf32, #tpu.memory_space<vmem_shared>> -> memref<10240x64xf32, #tpu.memory_space<vmem_shared>>
        tpu.enqueue_indirect_dma source(%arg10 : memref<128x64xf32, #tpu.memory_space<vmem>>) target(%dma_start3A_55 : memref<10240x64xf32, #tpu.memory_space<vmem_shared>>) offsets(%dma_start3A_52 : memref<128xi32, #tpu.memory_space<vmem>>) semaphore(%run_scoped3A : memref<!tpu.dma_semaphore, #tpu.memory_space<semaphore_mem>>) {add = true}
        %dma_wait3A_56 = arith.constant 0 : i32
        %dma_wait3A_57 = tpu.memref_slice %arg8[%add3A_36, %dma_wait3A_56] : memref<160x128xi32, #tpu.memory_space<vmem>> -> memref<1x128xi32, #tpu.memory_space<vmem>>
        %dma_wait3A_58 = tpu.memref_squeeze %dma_wait3A_57 : memref<1x128xi32, #tpu.memory_space<vmem>> -> memref<128xi32, #tpu.memory_space<vmem>>
        %dma_wait3A_59 = arith.constant 0 : i32
        %dma_wait3A_60 = arith.constant 0 : i32
        %dma_wait3A_61 = tpu.memref_slice %arg11[%dma_wait3A_59, %dma_wait3A_60] : memref<10240x64xf32, #tpu.memory_space<vmem_shared>> -> memref<10240x64xf32, #tpu.memory_space<vmem_shared>>
        tpu.wait_indirect_dma semaphore(%run_scoped3A : memref<!tpu.dma_semaphore, #tpu.memory_space<semaphore_mem>>) src(%arg10 : memref<128x64xf32, #tpu.memory_space<vmem>>) dst(%dma_wait3A_61 : memref<10240x64xf32, #tpu.memory_space<vmem_shared>>)
        tpu.yield
      }) : () -> ()
    }
    %scan3A_14 = arith.constant 80 : i32
    %barrier3A_15 = arith.constant 0 : index
    tpu.barrier barrier_id(%barrier3A_15)
    %mul3A_16 = arith.constant 640 : i32
    %mul3A_17 = arith.muli %arg1, %mul3A_16 : i32
    %mul3A_18 = arith.constant 640 : i32
    %mul3A_19 = arith.muli %arg1, %mul3A_18 : i32
    "tpu.region"() ({
      %run_scoped3A = tpu.sem_alloc : memref<!tpu.dma_semaphore, #tpu.memory_space<semaphore_mem>>
      %dma_start3A_20 = arith.constant 0 : i32
      %dma_start3A_21 = arith.constant 0 : i32
      %dma_start3A_22 = tpu.memref_slice %arg6[%arg0, %dma_start3A_20, %dma_start3A_21] : memref<2x10240x64xf32, #tpu.memory_space<hbm>> -> memref<1x10240x64xf32, #tpu.memory_space<hbm>>
      %dma_start3A_23 = tpu.memref_squeeze %dma_start3A_22 : memref<1x10240x64xf32, #tpu.memory_space<hbm>> -> memref<10240x64xf32, #tpu.memory_space<hbm>>
      %dma_start3A_24 = arith.constant 0 : i32
      %dma_start3A_25 = tpu.memref_slice %dma_start3A_23[%mul3A_19, %dma_start3A_24] : memref<10240x64xf32, #tpu.memory_space<hbm>> -> memref<640x64xf32, #tpu.memory_space<hbm>>
      %dma_start3A_26 = arith.constant 0 : i32
      %dma_start3A_27 = tpu.memref_slice %arg11[%mul3A_17, %dma_start3A_26] : memref<10240x64xf32, #tpu.memory_space<vmem_shared>> -> memref<640x64xf32, #tpu.memory_space<vmem_shared>>
      tpu.enqueue_dma source(%dma_start3A_27 : memref<640x64xf32, #tpu.memory_space<vmem_shared>>) target(%dma_start3A_25 : memref<640x64xf32, #tpu.memory_space<hbm>>) target_semaphore(%run_scoped3A : memref<!tpu.dma_semaphore, #tpu.memory_space<semaphore_mem>>)
      %dma_wait3A = arith.constant 0 : i32
      %dma_wait3A_28 = arith.constant 0 : i32
      %dma_wait3A_29 = tpu.memref_slice %arg6[%arg0, %dma_wait3A, %dma_wait3A_28] : memref<2x10240x64xf32, #tpu.memory_space<hbm>> -> memref<1x10240x64xf32, #tpu.memory_space<hbm>>
      %dma_wait3A_30 = tpu.memref_squeeze %dma_wait3A_29 : memref<1x10240x64xf32, #tpu.memory_space<hbm>> -> memref<10240x64xf32, #tpu.memory_space<hbm>>
      %dma_wait3A_31 = arith.constant 0 : i32
      %dma_wait3A_32 = tpu.memref_slice %dma_wait3A_30[%mul3A_19, %dma_wait3A_31] : memref<10240x64xf32, #tpu.memory_space<hbm>> -> memref<640x64xf32, #tpu.memory_space<hbm>>
      %dma_wait3A_33 = arith.constant 0 : i32
      %dma_wait3A_34 = tpu.memref_slice %arg11[%mul3A_17, %dma_wait3A_33] : memref<10240x64xf32, #tpu.memory_space<vmem_shared>> -> memref<640x64xf32, #tpu.memory_space<vmem_shared>>
      tpu.wait_dma2 semaphore(%run_scoped3A : memref<!tpu.dma_semaphore, #tpu.memory_space<semaphore_mem>>) src(%dma_wait3A_34 : memref<640x64xf32, #tpu.memory_space<vmem_shared>>) dst(%dma_wait3A_32 : memref<640x64xf32, #tpu.memory_space<hbm>>)
      tpu.yield
    }) : () -> ()
    return
  }
}

module attributes {stable_mosaic.version = 14 : i64} {
  func.func @_tc_layer1(%arg0: i32, %arg1: memref<2x400x64xf32, #tpu.memory_space<vmem>>, %arg2: memref<2x400x16xf32, #tpu.memory_space<vmem>>, %arg3: memref<400x128xf32, #tpu.memory_space<vmem>>, %arg4: memref<128x128xf32, #tpu.memory_space<vmem>>, %arg5: memref<128x128xf32, #tpu.memory_space<vmem>>, %arg6: memref<1x128xf32, #tpu.memory_space<vmem>>, %arg7: memref<1x2x400x64xf32, #tpu.memory_space<vmem>>) attributes {dimension_semantics = [#tpu.dimension_semantics<arbitrary>], iteration_bounds = array<i64: 25>, scalar_prefetch = 0 : i64, scratch_operands = 0 : i64, tpu.core_type = #tpu.core_type<tc>, window_params = [{transform_indices = @transform_0, window_bounds = array<i64: 2, 400, 64>}, {transform_indices = @transform_1, window_bounds = array<i64: 2, 400, 16>}, {transform_indices = @transform_2, window_bounds = array<i64: 400, 128>}, {pipeline_mode = #tpu.pipeline_mode<synchronous>, transform_indices = @transform_3, window_bounds = array<i64: 128, 128>}, {pipeline_mode = #tpu.pipeline_mode<synchronous>, transform_indices = @transform_4, window_bounds = array<i64: 128, 128>}, {pipeline_mode = #tpu.pipeline_mode<synchronous>, transform_indices = @transform_5, window_bounds = array<i64: 1, 128>}, {transform_indices = @transform_6, window_bounds = array<i64: 1, 2, 400, 64>}]} {
    %get3A = arith.constant 0 : index
    %get3A_0 = arith.constant 0 : index
    %get3A_1 = arith.constant 0 : index
    %get3A_2 = vector.load %arg1[%get3A, %get3A_0, %get3A_1] : memref<2x400x64xf32, #tpu.memory_space<vmem>>, vector<1x400x64xf32>
    %get3A_3 = vector.shape_cast %get3A_2 : vector<1x400x64xf32> to vector<400x64xf32>
    %get3A_4 = arith.constant 1 : index
    %get3A_5 = arith.constant 0 : index
    %get3A_6 = arith.constant 0 : index
    %get3A_7 = vector.load %arg1[%get3A_4, %get3A_5, %get3A_6] : memref<2x400x64xf32, #tpu.memory_space<vmem>>, vector<1x400x64xf32>
    %get3A_8 = vector.shape_cast %get3A_7 : vector<1x400x64xf32> to vector<400x64xf32>
    %concatenate3A = tpu.concatenate %get3A_3, %get3A_8 in 1 : vector<400x64xf32>, vector<400x64xf32> -> vector<400x128xf32>
    %get3A_9 = arith.constant 0 : index
    %get3A_10 = arith.constant 0 : index
    %get3A_11 = arith.constant 0 : index
    %get3A_12 = vector.load %arg2[%get3A_9, %get3A_10, %get3A_11] : memref<2x400x16xf32, #tpu.memory_space<vmem>>, vector<1x400x16xf32>
    %get3A_13 = vector.shape_cast %get3A_12 : vector<1x400x16xf32> to vector<400x16xf32>
    %get3A_14 = arith.constant 1 : index
    %get3A_15 = arith.constant 0 : index
    %get3A_16 = arith.constant 0 : index
    %get3A_17 = vector.load %arg2[%get3A_14, %get3A_15, %get3A_16] : memref<2x400x16xf32, #tpu.memory_space<vmem>>, vector<1x400x16xf32>
    %get3A_18 = vector.shape_cast %get3A_17 : vector<1x400x16xf32> to vector<400x16xf32>
    %add3A = arith.addf %get3A_13, %get3A_18 : vector<400x16xf32>
    %slice3A = vector.extract_strided_slice %add3A {offsets = [0, 0], sizes = [400, 1], strides = [1, 1]} : vector<400x16xf32> to vector<400x1xf32>
    %max3A = arith.constant 1.000000e+00 : f32
    %max3A_19 = vector.broadcast %max3A : f32 to vector<400x1xf32>
    %max3A_20 = arith.maximumf %slice3A, %max3A_19 : vector<400x1xf32>
    %div3A = arith.constant 1.000000e+00 : f32
    %div3A_21 = vector.broadcast %div3A : f32 to vector<400x1xf32>
    %div3A_22 = arith.divf %div3A_21, %max3A_20 : vector<400x1xf32>
    %mul3A = vector.broadcast %div3A_22 : vector<400x1xf32> to vector<400x128xf32>
    %mul3A_23 = arith.mulf %concatenate3A, %mul3A : vector<400x128xf32>
    %get3A_24 = arith.constant 0 : index
    %get3A_25 = arith.constant 0 : index
    %get3A_26 = vector.load %arg4[%get3A_24, %get3A_25] : memref<128x128xf32, #tpu.memory_space<vmem>>, vector<128x128xf32>
    %dot_general3A = arith.constant dense<0.000000e+00> : vector<400x128xf32>
    %dot_general3A_27 = tpu.matmul %mul3A_23, %get3A_26, %dot_general3A {dimension_numbers = #tpu.dot_dimension_numbers<[1], [0], [0], [1], [0, 0, 1, 1], [], []>, transpose_lhs_hint = false} : vector<400x128xf32>, vector<128x128xf32>, vector<400x128xf32> -> vector<400x128xf32>
    %get3A_28 = arith.constant 0 : index
    %get3A_29 = arith.constant 0 : index
    %get3A_30 = vector.load %arg6[%get3A_28, %get3A_29] : memref<1x128xf32, #tpu.memory_space<vmem>>, vector<1x128xf32>
    %add3A_31 = vector.broadcast %get3A_30 : vector<1x128xf32> to vector<400x128xf32>
    %add3A_32 = arith.addf %dot_general3A_27, %add3A_31 : vector<400x128xf32>
    %get3A_33 = arith.constant 0 : index
    %get3A_34 = arith.constant 0 : index
    %get3A_35 = vector.load %arg3[%get3A_33, %get3A_34] : memref<400x128xf32, #tpu.memory_space<vmem>>, vector<400x128xf32>
    %get3A_36 = arith.constant 0 : index
    %get3A_37 = arith.constant 0 : index
    %get3A_38 = vector.load %arg5[%get3A_36, %get3A_37] : memref<128x128xf32, #tpu.memory_space<vmem>>, vector<128x128xf32>
    %dot_general3A_39 = arith.constant dense<0.000000e+00> : vector<400x128xf32>
    %dot_general3A_40 = tpu.matmul %get3A_35, %get3A_38, %dot_general3A_39 {dimension_numbers = #tpu.dot_dimension_numbers<[1], [0], [0], [1], [0, 0, 1, 1], [], []>, transpose_lhs_hint = false} : vector<400x128xf32>, vector<128x128xf32>, vector<400x128xf32> -> vector<400x128xf32>
    %add3A_41 = arith.addf %add3A_32, %dot_general3A_40 : vector<400x128xf32>
    %max3A_42 = arith.constant 0.000000e+00 : f32
    %max3A_43 = vector.broadcast %max3A_42 : f32 to vector<400x128xf32>
    %max3A_44 = arith.maximumf %add3A_41, %max3A_43 : vector<400x128xf32>
    %slice3A_45 = vector.extract_strided_slice %max3A_44 {offsets = [0, 0], sizes = [400, 64], strides = [1, 1]} : vector<400x128xf32> to vector<400x64xf32>
    %swap3A = arith.constant 0 : index
    %swap3A_46 = arith.constant 0 : index
    %swap3A_47 = arith.constant 0 : index
    %swap3A_48 = arith.constant 0 : index
    %swap3A_49 = vector.load %arg7[%swap3A, %swap3A_46, %swap3A_47, %swap3A_48] : memref<1x2x400x64xf32, #tpu.memory_space<vmem>>, vector<1x1x400x64xf32>
    %swap3A_50 = vector.shape_cast %swap3A_49 : vector<1x1x400x64xf32> to vector<400x64xf32>
    %swap3A_51 = vector.shape_cast %slice3A_45 : vector<400x64xf32> to vector<1x1x400x64xf32>
    tpu.vector_store %arg7[%swap3A, %swap3A_46, %swap3A_47, %swap3A_48], %swap3A_51 {strides = array<i32>} : memref<1x2x400x64xf32, #tpu.memory_space<vmem>>, vector<1x1x400x64xf32>,
    %slice3A_52 = vector.extract_strided_slice %max3A_44 {offsets = [0, 64], sizes = [400, 64], strides = [1, 1]} : vector<400x128xf32> to vector<400x64xf32>
    %swap3A_53 = arith.constant 0 : index
    %swap3A_54 = arith.constant 1 : index
    %swap3A_55 = arith.constant 0 : index
    %swap3A_56 = arith.constant 0 : index
    %swap3A_57 = vector.load %arg7[%swap3A_53, %swap3A_54, %swap3A_55, %swap3A_56] : memref<1x2x400x64xf32, #tpu.memory_space<vmem>>, vector<1x1x400x64xf32>
    %swap3A_58 = vector.shape_cast %swap3A_57 : vector<1x1x400x64xf32> to vector<400x64xf32>
    %swap3A_59 = vector.shape_cast %slice3A_52 : vector<400x64xf32> to vector<1x1x400x64xf32>
    tpu.vector_store %arg7[%swap3A_53, %swap3A_54, %swap3A_55, %swap3A_56], %swap3A_59 {strides = array<i32>} : memref<1x2x400x64xf32, #tpu.memory_space<vmem>>, vector<1x1x400x64xf32>,
    return
  }
  func.func @transform_0(%arg0: i32) -> (i32, i32, i32) {
    %c0_i32 = arith.constant 0 : i32
    %c0_i32_0 = arith.constant 0 : i32
    %c0_i32_1 = arith.constant 0 : i32
    return %c0_i32, %arg0, %c0_i32_0 : i32, i32, i32
  }
  func.func @transform_1(%arg0: i32) -> (i32, i32, i32) {
    %c0_i32 = arith.constant 0 : i32
    %c0_i32_0 = arith.constant 0 : i32
    %c0_i32_1 = arith.constant 0 : i32
    return %c0_i32, %arg0, %c0_i32_0 : i32, i32, i32
  }
  func.func @transform_2(%arg0: i32) -> (i32, i32) {
    %c0_i32 = arith.constant 0 : i32
    %c0_i32_0 = arith.constant 0 : i32
    return %arg0, %c0_i32 : i32, i32
  }
  func.func @transform_3(%arg0: i32) -> (i32, i32) {
    %c0_i32 = arith.constant 0 : i32
    %c0_i32_0 = arith.constant 0 : i32
    %c0_i32_1 = arith.constant 0 : i32
    return %c0_i32, %c0_i32_0 : i32, i32
  }
  func.func @transform_4(%arg0: i32) -> (i32, i32) {
    %c0_i32 = arith.constant 0 : i32
    %c0_i32_0 = arith.constant 0 : i32
    %c0_i32_1 = arith.constant 0 : i32
    return %c0_i32, %c0_i32_0 : i32, i32
  }
  func.func @transform_5(%arg0: i32) -> (i32, i32) {
    %c0_i32 = arith.constant 0 : i32
    %c0_i32_0 = arith.constant 0 : i32
    %c0_i32_1 = arith.constant 0 : i32
    return %c0_i32, %c0_i32_0 : i32, i32
  }
  func.func @transform_6(%arg0: i32) -> (i32, i32, i32, i32) {
    %c0_i32 = arith.constant 0 : i32
    %c0_i32_0 = arith.constant 0 : i32
    %c0_i32_1 = arith.constant 0 : i32
    %c0_i32_2 = arith.constant 0 : i32
    return %arg0, %c0_i32, %c0_i32_0, %c0_i32_1 : i32, i32, i32, i32
  }
}

module attributes {stable_mosaic.version = 14 : i64} {
  func.func @_tc_layer2(%arg0: i32, %arg1: memref<2x400x64xf32, #tpu.memory_space<vmem>>, %arg2: memref<2x400x16xf32, #tpu.memory_space<vmem>>, %arg3: memref<1x2x400x64xf32, #tpu.memory_space<vmem>>, %arg4: memref<128x256xf32, #tpu.memory_space<vmem>>, %arg5: memref<128x256xf32, #tpu.memory_space<vmem>>, %arg6: memref<1x256xf32, #tpu.memory_space<vmem>>, %arg7: memref<256x16xf32, #tpu.memory_space<vmem>>, %arg8: memref<400x256xf32, #tpu.memory_space<vmem>>, %arg9: memref<400x16xf32, #tpu.memory_space<vmem>>) attributes {dimension_semantics = [#tpu.dimension_semantics<arbitrary>], iteration_bounds = array<i64: 25>, scalar_prefetch = 0 : i64, scratch_operands = 0 : i64, tpu.core_type = #tpu.core_type<tc>, window_params = [{transform_indices = @transform_0, window_bounds = array<i64: 2, 400, 64>}, {transform_indices = @transform_1, window_bounds = array<i64: 2, 400, 16>}, {transform_indices = @transform_2, window_bounds = array<i64: 1, 2, 400, 64>}, {pipeline_mode = #tpu.pipeline_mode<synchronous>, transform_indices = @transform_3, window_bounds = array<i64: 128, 256>}, {pipeline_mode = #tpu.pipeline_mode<synchronous>, transform_indices = @transform_4, window_bounds = array<i64: 128, 256>}, {pipeline_mode = #tpu.pipeline_mode<synchronous>, transform_indices = @transform_5, window_bounds = array<i64: 1, 256>}, {pipeline_mode = #tpu.pipeline_mode<synchronous>, transform_indices = @transform_6, window_bounds = array<i64: 256, 16>}, {transform_indices = @transform_7, window_bounds = array<i64: 400, 256>}, {transform_indices = @transform_8, window_bounds = array<i64: 400, 16>}]} {
    %get3A = arith.constant 0 : index
    %get3A_0 = arith.constant 0 : index
    %get3A_1 = arith.constant 0 : index
    %get3A_2 = vector.load %arg1[%get3A, %get3A_0, %get3A_1] : memref<2x400x64xf32, #tpu.memory_space<vmem>>, vector<1x400x64xf32>
    %get3A_3 = vector.shape_cast %get3A_2 : vector<1x400x64xf32> to vector<400x64xf32>
    %get3A_4 = arith.constant 1 : index
    %get3A_5 = arith.constant 0 : index
    %get3A_6 = arith.constant 0 : index
    %get3A_7 = vector.load %arg1[%get3A_4, %get3A_5, %get3A_6] : memref<2x400x64xf32, #tpu.memory_space<vmem>>, vector<1x400x64xf32>
    %get3A_8 = vector.shape_cast %get3A_7 : vector<1x400x64xf32> to vector<400x64xf32>
    %concatenate3A = tpu.concatenate %get3A_3, %get3A_8 in 1 : vector<400x64xf32>, vector<400x64xf32> -> vector<400x128xf32>
    %get3A_9 = arith.constant 0 : index
    %get3A_10 = arith.constant 0 : index
    %get3A_11 = arith.constant 0 : index
    %get3A_12 = vector.load %arg2[%get3A_9, %get3A_10, %get3A_11] : memref<2x400x16xf32, #tpu.memory_space<vmem>>, vector<1x400x16xf32>
    %get3A_13 = vector.shape_cast %get3A_12 : vector<1x400x16xf32> to vector<400x16xf32>
    %get3A_14 = arith.constant 1 : index
    %get3A_15 = arith.constant 0 : index
    %get3A_16 = arith.constant 0 : index
    %get3A_17 = vector.load %arg2[%get3A_14, %get3A_15, %get3A_16] : memref<2x400x16xf32, #tpu.memory_space<vmem>>, vector<1x400x16xf32>
    %get3A_18 = vector.shape_cast %get3A_17 : vector<1x400x16xf32> to vector<400x16xf32>
    %add3A = arith.addf %get3A_13, %get3A_18 : vector<400x16xf32>
    %slice3A = vector.extract_strided_slice %add3A {offsets = [0, 0], sizes = [400, 1], strides = [1, 1]} : vector<400x16xf32> to vector<400x1xf32>
    %max3A = arith.constant 1.000000e+00 : f32
    %max3A_19 = vector.broadcast %max3A : f32 to vector<400x1xf32>
    %max3A_20 = arith.maximumf %slice3A, %max3A_19 : vector<400x1xf32>
    %div3A = arith.constant 1.000000e+00 : f32
    %div3A_21 = vector.broadcast %div3A : f32 to vector<400x1xf32>
    %div3A_22 = arith.divf %div3A_21, %max3A_20 : vector<400x1xf32>
    %mul3A = vector.broadcast %div3A_22 : vector<400x1xf32> to vector<400x128xf32>
    %mul3A_23 = arith.mulf %concatenate3A, %mul3A : vector<400x128xf32>
    %get3A_24 = arith.constant 0 : index
    %get3A_25 = arith.constant 0 : index
    %get3A_26 = vector.load %arg4[%get3A_24, %get3A_25] : memref<128x256xf32, #tpu.memory_space<vmem>>, vector<128x256xf32>
    %dot_general3A = arith.constant dense<0.000000e+00> : vector<400x256xf32>
    %dot_general3A_27 = tpu.matmul %mul3A_23, %get3A_26, %dot_general3A {dimension_numbers = #tpu.dot_dimension_numbers<[1], [0], [0], [1], [0, 0, 1, 1], [], []>, transpose_lhs_hint = false} : vector<400x128xf32>, vector<128x256xf32>, vector<400x256xf32> -> vector<400x256xf32>
    %get3A_28 = arith.constant 0 : index
    %get3A_29 = arith.constant 0 : index
    %get3A_30 = arith.constant 0 : index
    %get3A_31 = arith.constant 0 : index
    %get3A_32 = vector.load %arg3[%get3A_28, %get3A_29, %get3A_30, %get3A_31] : memref<1x2x400x64xf32, #tpu.memory_space<vmem>>, vector<1x1x400x64xf32>
    %get3A_33 = vector.shape_cast %get3A_32 : vector<1x1x400x64xf32> to vector<400x64xf32>
    %get3A_34 = arith.constant 0 : index
    %get3A_35 = arith.constant 1 : index
    %get3A_36 = arith.constant 0 : index
    %get3A_37 = arith.constant 0 : index
    %get3A_38 = vector.load %arg3[%get3A_34, %get3A_35, %get3A_36, %get3A_37] : memref<1x2x400x64xf32, #tpu.memory_space<vmem>>, vector<1x1x400x64xf32>
    %get3A_39 = vector.shape_cast %get3A_38 : vector<1x1x400x64xf32> to vector<400x64xf32>
    %concatenate3A_40 = tpu.concatenate %get3A_33, %get3A_39 in 1 : vector<400x64xf32>, vector<400x64xf32> -> vector<400x128xf32>
    %get3A_41 = arith.constant 0 : index
    %get3A_42 = arith.constant 0 : index
    %get3A_43 = vector.load %arg6[%get3A_41, %get3A_42] : memref<1x256xf32, #tpu.memory_space<vmem>>, vector<1x256xf32>
    %add3A_44 = vector.broadcast %get3A_43 : vector<1x256xf32> to vector<400x256xf32>
    %add3A_45 = arith.addf %dot_general3A_27, %add3A_44 : vector<400x256xf32>
    %get3A_46 = arith.constant 0 : index
    %get3A_47 = arith.constant 0 : index
    %get3A_48 = vector.load %arg5[%get3A_46, %get3A_47] : memref<128x256xf32, #tpu.memory_space<vmem>>, vector<128x256xf32>
    %dot_general3A_49 = arith.constant dense<0.000000e+00> : vector<400x256xf32>
    %dot_general3A_50 = tpu.matmul %concatenate3A_40, %get3A_48, %dot_general3A_49 {dimension_numbers = #tpu.dot_dimension_numbers<[1], [0], [0], [1], [0, 0, 1, 1], [], []>, transpose_lhs_hint = false} : vector<400x128xf32>, vector<128x256xf32>, vector<400x256xf32> -> vector<400x256xf32>
    %add3A_51 = arith.addf %add3A_45, %dot_general3A_50 : vector<400x256xf32>
    %max3A_52 = arith.constant 0.000000e+00 : f32
    %max3A_53 = vector.broadcast %max3A_52 : f32 to vector<400x256xf32>
    %max3A_54 = arith.maximumf %add3A_51, %max3A_53 : vector<400x256xf32>
    %swap3A = arith.constant 0 : index
    %swap3A_55 = arith.constant 0 : index
    %swap3A_56 = vector.load %arg8[%swap3A, %swap3A_55] : memref<400x256xf32, #tpu.memory_space<vmem>>, vector<400x256xf32>
    tpu.vector_store %arg8[%swap3A, %swap3A_55], %max3A_54 {strides = array<i32>} : memref<400x256xf32, #tpu.memory_space<vmem>>, vector<400x256xf32>,
    %get3A_57 = arith.constant 0 : index
    %get3A_58 = arith.constant 0 : index
    %get3A_59 = vector.load %arg7[%get3A_57, %get3A_58] : memref<256x16xf32, #tpu.memory_space<vmem>>, vector<256x16xf32>
    %dot_general3A_60 = arith.constant dense<0.000000e+00> : vector<400x16xf32>
    %dot_general3A_61 = tpu.matmul %max3A_54, %get3A_59, %dot_general3A_60 {dimension_numbers = #tpu.dot_dimension_numbers<[1], [0], [0], [1], [0, 0, 1, 1], [], []>, transpose_lhs_hint = false} : vector<400x256xf32>, vector<256x16xf32>, vector<400x16xf32> -> vector<400x16xf32>
    %swap3A_62 = arith.constant 0 : index
    %swap3A_63 = arith.constant 0 : index
    %swap3A_64 = vector.load %arg9[%swap3A_62, %swap3A_63] : memref<400x16xf32, #tpu.memory_space<vmem>>, vector<400x16xf32>
    tpu.vector_store %arg9[%swap3A_62, %swap3A_63], %dot_general3A_61 {strides = array<i32>} : memref<400x16xf32, #tpu.memory_space<vmem>>, vector<400x16xf32>,
    return
  }
  func.func @transform_0(%arg0: i32) -> (i32, i32, i32) {
    %c0_i32 = arith.constant 0 : i32
    %c0_i32_0 = arith.constant 0 : i32
    %c0_i32_1 = arith.constant 0 : i32
    return %c0_i32, %arg0, %c0_i32_0 : i32, i32, i32
  }
  func.func @transform_1(%arg0: i32) -> (i32, i32, i32) {
    %c0_i32 = arith.constant 0 : i32
    %c0_i32_0 = arith.constant 0 : i32
    %c0_i32_1 = arith.constant 0 : i32
    return %c0_i32, %arg0, %c0_i32_0 : i32, i32, i32
  }
  func.func @transform_2(%arg0: i32) -> (i32, i32, i32, i32) {
    %c0_i32 = arith.constant 0 : i32
    %c0_i32_0 = arith.constant 0 : i32
    %c0_i32_1 = arith.constant 0 : i32
    %c0_i32_2 = arith.constant 0 : i32
    return %arg0, %c0_i32, %c0_i32_0, %c0_i32_1 : i32, i32, i32, i32
  }
  func.func @transform_3(%arg0: i32) -> (i32, i32) {
    %c0_i32 = arith.constant 0 : i32
    %c0_i32_0 = arith.constant 0 : i32
    %c0_i32_1 = arith.constant 0 : i32
    return %c0_i32, %c0_i32_0 : i32, i32
  }
  func.func @transform_4(%arg0: i32) -> (i32, i32) {
    %c0_i32 = arith.constant 0 : i32
    %c0_i32_0 = arith.constant 0 : i32
    %c0_i32_1 = arith.constant 0 : i32
    return %c0_i32, %c0_i32_0 : i32, i32
  }
  func.func @transform_5(%arg0: i32) -> (i32, i32) {
    %c0_i32 = arith.constant 0 : i32
    %c0_i32_0 = arith.constant 0 : i32
    %c0_i32_1 = arith.constant 0 : i32
    return %c0_i32, %c0_i32_0 : i32, i32
  }
  func.func @transform_6(%arg0: i32) -> (i32, i32) {
    %c0_i32 = arith.constant 0 : i32
    %c0_i32_0 = arith.constant 0 : i32
    %c0_i32_1 = arith.constant 0 : i32
    return %c0_i32, %c0_i32_0 : i32, i32
  }
  func.func @transform_7(%arg0: i32) -> (i32, i32) {
    %c0_i32 = arith.constant 0 : i32
    %c0_i32_0 = arith.constant 0 : i32
    return %arg0, %c0_i32 : i32, i32
  }
  func.func @transform_8(%arg0: i32) -> (i32, i32) {
    %c0_i32 = arith.constant 0 : i32
    %c0_i32_0 = arith.constant 0 : i32
    return %arg0, %c0_i32 : i32, i32
  }
}

module attributes {stable_mosaic.version = 14 : i64} {
  func.func @_tc_layer3(%arg0: i32, %arg1: memref<2x400x16xf32, #tpu.memory_space<vmem>>, %arg2: memref<2x400x16xf32, #tpu.memory_space<vmem>>, %arg3: memref<400x256xf32, #tpu.memory_space<vmem>>, %arg4: memref<256x16xf32, #tpu.memory_space<vmem>>, %arg5: memref<1x16xf32, #tpu.memory_space<vmem>>, %arg6: memref<400x2xf32, #tpu.memory_space<vmem>>) attributes {dimension_semantics = [#tpu.dimension_semantics<arbitrary>], iteration_bounds = array<i64: 25>, scalar_prefetch = 0 : i64, scratch_operands = 0 : i64, tpu.core_type = #tpu.core_type<tc>, window_params = [{transform_indices = @transform_0, window_bounds = array<i64: 2, 400, 16>}, {transform_indices = @transform_1, window_bounds = array<i64: 2, 400, 16>}, {transform_indices = @transform_2, window_bounds = array<i64: 400, 256>}, {pipeline_mode = #tpu.pipeline_mode<synchronous>, transform_indices = @transform_3, window_bounds = array<i64: 256, 16>}, {pipeline_mode = #tpu.pipeline_mode<synchronous>, transform_indices = @transform_4, window_bounds = array<i64: 1, 16>}, {transform_indices = @transform_5, window_bounds = array<i64: 400, 2>}]} {
    %get3A = arith.constant 0 : index
    %get3A_0 = arith.constant 0 : index
    %get3A_1 = arith.constant 0 : index
    %get3A_2 = vector.load %arg1[%get3A, %get3A_0, %get3A_1] : memref<2x400x16xf32, #tpu.memory_space<vmem>>, vector<1x400x16xf32>
    %get3A_3 = vector.shape_cast %get3A_2 : vector<1x400x16xf32> to vector<400x16xf32>
    %get3A_4 = arith.constant 1 : index
    %get3A_5 = arith.constant 0 : index
    %get3A_6 = arith.constant 0 : index
    %get3A_7 = vector.load %arg1[%get3A_4, %get3A_5, %get3A_6] : memref<2x400x16xf32, #tpu.memory_space<vmem>>, vector<1x400x16xf32>
    %get3A_8 = vector.shape_cast %get3A_7 : vector<1x400x16xf32> to vector<400x16xf32>
    %add3A = arith.addf %get3A_3, %get3A_8 : vector<400x16xf32>
    %get3A_9 = arith.constant 0 : index
    %get3A_10 = arith.constant 0 : index
    %get3A_11 = arith.constant 0 : index
    %get3A_12 = vector.load %arg2[%get3A_9, %get3A_10, %get3A_11] : memref<2x400x16xf32, #tpu.memory_space<vmem>>, vector<1x400x16xf32>
    %get3A_13 = vector.shape_cast %get3A_12 : vector<1x400x16xf32> to vector<400x16xf32>
    %get3A_14 = arith.constant 1 : index
    %get3A_15 = arith.constant 0 : index
    %get3A_16 = arith.constant 0 : index
    %get3A_17 = vector.load %arg2[%get3A_14, %get3A_15, %get3A_16] : memref<2x400x16xf32, #tpu.memory_space<vmem>>, vector<1x400x16xf32>
    %get3A_18 = vector.shape_cast %get3A_17 : vector<1x400x16xf32> to vector<400x16xf32>
    %add3A_19 = arith.addf %get3A_13, %get3A_18 : vector<400x16xf32>
    %slice3A = vector.extract_strided_slice %add3A_19 {offsets = [0, 0], sizes = [400, 1], strides = [1, 1]} : vector<400x16xf32> to vector<400x1xf32>
    %max3A = arith.constant 1.000000e+00 : f32
    %max3A_20 = vector.broadcast %max3A : f32 to vector<400x1xf32>
    %max3A_21 = arith.maximumf %slice3A, %max3A_20 : vector<400x1xf32>
    %div3A = arith.constant 1.000000e+00 : f32
    %div3A_22 = vector.broadcast %div3A : f32 to vector<400x1xf32>
    %div3A_23 = arith.divf %div3A_22, %max3A_21 : vector<400x1xf32>
    %mul3A = vector.broadcast %div3A_23 : vector<400x1xf32> to vector<400x16xf32>
    %mul3A_24 = arith.mulf %add3A, %mul3A : vector<400x16xf32>
    %get3A_25 = arith.constant 0 : index
    %get3A_26 = arith.constant 0 : index
    %get3A_27 = vector.load %arg3[%get3A_25, %get3A_26] : memref<400x256xf32, #tpu.memory_space<vmem>>, vector<400x256xf32>
    %get3A_28 = arith.constant 0 : index
    %get3A_29 = arith.constant 0 : index
    %get3A_30 = vector.load %arg4[%get3A_28, %get3A_29] : memref<256x16xf32, #tpu.memory_space<vmem>>, vector<256x16xf32>
    %dot_general3A = arith.constant dense<0.000000e+00> : vector<400x16xf32>
    %dot_general3A_31 = tpu.matmul %get3A_27, %get3A_30, %dot_general3A {dimension_numbers = #tpu.dot_dimension_numbers<[1], [0], [0], [1], [0, 0, 1, 1], [], []>, transpose_lhs_hint = false} : vector<400x256xf32>, vector<256x16xf32>, vector<400x16xf32> -> vector<400x16xf32>
    %add3A_32 = arith.addf %mul3A_24, %dot_general3A_31 : vector<400x16xf32>
    %get3A_33 = arith.constant 0 : index
    %get3A_34 = arith.constant 0 : index
    %get3A_35 = vector.load %arg5[%get3A_33, %get3A_34] : memref<1x16xf32, #tpu.memory_space<vmem>>, vector<1x16xf32>
    %add3A_36 = vector.broadcast %get3A_35 : vector<1x16xf32> to vector<400x16xf32>
    %add3A_37 = arith.addf %add3A_32, %add3A_36 : vector<400x16xf32>
    %slice3A_38 = vector.extract_strided_slice %add3A_37 {offsets = [0, 0], sizes = [400, 2], strides = [1, 1]} : vector<400x16xf32> to vector<400x2xf32>
    %reduce_max3A = arith.constant dense<0xFF800000> : vector<400xf32>
    %reduce_max3A_39 = vector.multi_reduction <maximumf>, %slice3A_38, %reduce_max3A [1] : vector<400x2xf32> to vector<400xf32>
    %broadcast_in_dim3A = vector.shape_cast %reduce_max3A_39 : vector<400xf32> to vector<400x1xf32>
    %sub3A = vector.broadcast %broadcast_in_dim3A : vector<400x1xf32> to vector<400x2xf32>
    %sub3A_40 = arith.subf %slice3A_38, %sub3A : vector<400x2xf32>
    %exp3A = math.exp %sub3A_40 : vector<400x2xf32>
    %reduce_sum3A = arith.constant dense<0.000000e+00> : vector<400xf32>
    %reduce_sum3A_41 = vector.multi_reduction <add>, %exp3A, %reduce_sum3A [1] : vector<400x2xf32> to vector<400xf32>
    %broadcast_in_dim3A_42 = vector.shape_cast %reduce_sum3A_41 : vector<400xf32> to vector<400x1xf32>
    %log3A = math.log %broadcast_in_dim3A_42 : vector<400x1xf32>
    %add3A_43 = arith.addf %broadcast_in_dim3A, %log3A : vector<400x1xf32>
    %sub3A_44 = vector.broadcast %add3A_43 : vector<400x1xf32> to vector<400x2xf32>
    %sub3A_45 = arith.subf %slice3A_38, %sub3A_44 : vector<400x2xf32>
    %swap3A = arith.constant 0 : index
    %swap3A_46 = arith.constant 0 : index
    %swap3A_47 = vector.load %arg6[%swap3A, %swap3A_46] : memref<400x2xf32, #tpu.memory_space<vmem>>, vector<400x2xf32>
    tpu.vector_store %arg6[%swap3A, %swap3A_46], %sub3A_45 {strides = array<i32>} : memref<400x2xf32, #tpu.memory_space<vmem>>, vector<400x2xf32>,
    return
  }
  func.func @transform_0(%arg0: i32) -> (i32, i32, i32) {
    %c0_i32 = arith.constant 0 : i32
    %c0_i32_0 = arith.constant 0 : i32
    %c0_i32_1 = arith.constant 0 : i32
    return %c0_i32, %arg0, %c0_i32_0 : i32, i32, i32
  }
  func.func @transform_1(%arg0: i32) -> (i32, i32, i32) {
    %c0_i32 = arith.constant 0 : i32
    %c0_i32_0 = arith.constant 0 : i32
    %c0_i32_1 = arith.constant 0 : i32
    return %c0_i32, %arg0, %c0_i32_0 : i32, i32, i32
  }
  func.func @transform_2(%arg0: i32) -> (i32, i32) {
    %c0_i32 = arith.constant 0 : i32
    %c0_i32_0 = arith.constant 0 : i32
    return %arg0, %c0_i32 : i32, i32
  }
  func.func @transform_3(%arg0: i32) -> (i32, i32) {
    %c0_i32 = arith.constant 0 : i32
    %c0_i32_0 = arith.constant 0 : i32
    %c0_i32_1 = arith.constant 0 : i32
    return %c0_i32, %c0_i32_0 : i32, i32
  }
  func.func @transform_4(%arg0: i32) -> (i32, i32) {
    %c0_i32 = arith.constant 0 : i32
    %c0_i32_0 = arith.constant 0 : i32
    %c0_i32_1 = arith.constant 0 : i32
    return %c0_i32, %c0_i32_0 : i32, i32
  }
  func.func @transform_5(%arg0: i32) -> (i32, i32) {
    %c0_i32 = arith.constant 0 : i32
    %c0_i32_0 = arith.constant 0 : i32
    return %arg0, %c0_i32 : i32, i32
  }
}

</mosaic_0001>

<sc_bundles>
// kernel: kernel.12.cloned.1.call-start
scs
__scs_entry_jumppad:
0x0: {  	(pc) =	sbr.rel $0x88, $3  }
0x1: {  	(tag) =	ssettag $0x0;
	lr =	simm.s32 $0x1  }
0x2: {  	[smem:$0x3F96] =	sst lr;
	_ =	strace $0xD0000000  }
0x3: {  	_ = 	snop  }
0x4: {  	_ = 	snop  }
0x5: {  	_ = 	snop  }
0x6: {  	_ = 	snop  }
0x7: {  	_ = 	snop  }
__scs_overlays_trampoline_lowered:
0x8: {  	[smem:$0x3FA5] =	sst s0  }
0x9: {  	[smem:$0x3FA6] =	sst s1  }
0xa: {  	[smem:$0x3FA7] =	sst s2  }
0xb: {  	[smem:$0x3FA8] =	sst s3  }
0xc: {  	[smem:$0x3FA9] =	sst s4  }
0xd: {  	[smem:$0x3FAA] =	sst s5  }
0xe: {  	[smem:$0x3FAB] =	sst s6  }
0xf: {  	[smem:$0x3FAC] =	sst s7  }
0x10: {  	[smem:$0x3FAD] =	sst s8  }
0x11: {  	[smem:$0x3FAE] =	sst s9;
	s0 =	simm.s32 @!p0 $0x0  }
0x12: {  	s1 =	sld [smem:$0x3F94];
	s0 =	simm.s32 @p0 $0x1  }
0x13: {  	[smem:$0x3FAF] =	sst s0;
	s0 =	simm.s32 @!p1 $0x0  }
0x14: {  	s2 =	sld [smem:$0x3F93];
	s0 =	simm.s32 @p1 $0x1  }
0x15: {  	[smem:$0x3FB0] =	sst s0;
	s0 =	simm.s32 @!p2 $0x0  }
0x16: {  	s3 =	sld [smem:$0x3FDB];
	s0 =	simm.s32 @p2 $0x1  }
0x17: {  	s4 =	simm.s32 $0x1BF5;
	[smem:$0x3FB2] =	sst s0  }
0x18: {  	s0 =	sld [smem:$0x3F95];
	_ =	swait.ge [sflag:s4], $0x0  }
0x19: {  	s7 =	sld [smem:$0x3F96]  }
0x1a: {  	s8 =	sadd.s32 $0xFFFFE003, lr  }
0x1b: {  	s9 =	sadd.s32 $0xFFFFFEF7, lr;
	s5 =	simm.s32 $0xFFFFFFFF;
	p2 =	slt.u32 s8, $0xFFFFF086  }
0x1c: {  	p1 =	slt.u32 s9, $0xF7A;
	s5 =	simm.s32 @!p2 $0x0  }
0x1d: {  	s5 =	simm.s32 @p1 $0x1;
	p0 =	seq.s32 s7, s2  }
0x1e: {  	s7 =	smul.u32 @!p0 $0xF7A, s2;
	p2 =	seq.s32 @!p0 s5, $0x0  }
0x1f: {  	s9 =	smul.u32 $0xF7A, s1;
	s8 =	simm.s32 @!p0 $0x1BF5;
	p2 =	por !p2, p0  }
0x20: {  	[sflag:s8] =	ssyncset.s32 @!p0 $0xFFFFF086;
	s6 =	sadd.s32 @!p0 s3, s7;
	s7 =	simm.s32 @!p0 $0x108  }
0x21: {  	s3 =	sadd.s32 s3, s9;
	s6 =	sadd.s32 @!p0 $0x88, s6;
	s7 =	simm.s32 @p2 $0x1082  }
0x22: {  	[simem:s7], [sflag:s8] =	dma.local @!p0 [hbm:s6], $0xF7A  }
0x23: {  	s9 =	sor.u32 $0xD0000000, s2;
	s6 =	simm.s32 $0x108;
	_ =	swait.ge @!p0 [sflag:s8], $0x0  }
0x24: {  	s3 =	sadd.s32 $0x88, s3;
	s6 =	simm.s32 @!p1 $0x1082;
	[sflag:s4] =	ssyncset.s32 $0xFFFFF086  }
0x25: {  	[simem:s6], [sflag:s4] =	dma.local [hbm:s3], $0xF7A  }
0x26: {  	[smem:$0x3F96] =	sst s1;
	(tag) =	ssettag s2;
	_ =	strace s9  }
0x27: {  	s1 =	sld [smem:$0x3FA6]  }
0x28: {  	s2 =	sld [smem:$0x3FA7]  }
0x29: {  	s4 =	sld [smem:$0x3FA9]  }
0x2a: {  	p0 =	seq.s32 s5, $0x0;
	s5 =	sld [smem:$0x3FAA]  }
0x2b: {  	s6 =	sld [smem:$0x3FAB]  }
0x2c: {  	s7 =	sld [smem:$0x3FAC]  }
0x2d: {  	s3 =	simm.s32 $0x108;
	s8 =	sld [smem:$0x3FAD]  }
0x2e: {  	s3 =	simm.s32 @!p0 $0x1082;
	s9 =	sld [smem:$0x3FAE]  }
0x2f: {  	lr =	sadd.s32 s0, s3;
	s0 =	sld [smem:$0x3FA5]  }
0x30: {  	s3 =	sld [smem:$0x3FA8]  }
0x31: {  	[smem:$0x3FB1] =	sst s10  }
0x32: {  	s10 =	sld [smem:$0x3FAF];
	_ =	sdelay $0x3  }
0x33: {  	p0 =	seq.s32 s10, $0x1;
	s10 =	sld [smem:$0x3FB1];
	_ =	sdelay $0x3  }
0x34: {  	[smem:$0x3FB1] =	sst s10  }
0x35: {  	s10 =	sld [smem:$0x3FB0];
	_ =	sdelay $0x3  }
0x36: {  	p1 =	seq.s32 s10, $0x1;
	s10 =	sld [smem:$0x3FB1];
	_ =	sdelay $0x3  }
0x37: {  	[smem:$0x3FB1] =	sst s10  }
0x38: {  	s10 =	sld [smem:$0x3FB2]  }
0x39: {  	_ = 	snop;
	(pc) =	sbr.ind lr, $3  }
0x3a: {  	_ = 	snop  }
0x3b: {  	_ = 	snop  }
0x3c: {  	p2 =	seq.s32 s10, $0x1;
	s10 =	sld [smem:$0x3FB1]  }
0x3d: {  	_ =	shalt  }
0x3e: {  	_ =	shalt  }
0x3f: {  	_ =	shalt  }
0x40: {  	_ =	shalt  }
0x41: {  	_ =	shalt  }
0x42: {  	_ =	shalt  }
0x43: {  	_ =	shalt  }
0x44: {  	_ =	shalt  }
0x45: {  	_ =	shalt  }
0x46: {  	_ =	shalt  }
0x47: {  	_ =	shalt  }
0x48: {  	_ =	shalt  }
0x49: {  	_ =	shalt  }
0x4a: {  	_ =	shalt  }
0x4b: {  	_ =	shalt  }
0x4c: {  	_ =	shalt  }
0x4d: {  	_ =	shalt  }
0x4e: {  	_ =	shalt  }
0x4f: {  	_ =	shalt  }
0x50: {  	_ =	shalt  }
0x51: {  	_ =	shalt  }
0x52: {  	_ =	shalt  }
0x53: {  	_ =	shalt  }
0x54: {  	_ =	shalt  }
0x55: {  	_ =	shalt  }
0x56: {  	_ =	shalt  }
0x57: {  	_ =	shalt  }
0x58: {  	_ =	shalt  }
0x59: {  	_ =	shalt  }
0x5a: {  	_ =	shalt  }
0x5b: {  	_ =	shalt  }
0x5c: {  	_ =	shalt  }
0x5d: {  	_ =	shalt  }
0x5e: {  	_ =	shalt  }
0x5f: {  	_ =	shalt  }
0x60: {  	_ =	shalt  }
0x61: {  	_ =	shalt  }
0x62: {  	_ =	shalt  }
0x63: {  	_ =	shalt  }
0x64: {  	_ =	shalt  }
0x65: {  	_ =	shalt  }
0x66: {  	_ =	shalt  }
0x67: {  	_ =	shalt  }
0x68: {  	_ =	shalt  }
0x69: {  	_ =	shalt  }
0x6a: {  	_ =	shalt  }
0x6b: {  	_ =	shalt  }
0x6c: {  	_ =	shalt  }
0x6d: {  	_ =	shalt  }
0x6e: {  	_ =	shalt  }
0x6f: {  	_ =	shalt  }
0x70: {  	_ =	shalt  }
0x71: {  	_ =	shalt  }
0x72: {  	_ =	shalt  }
0x73: {  	_ =	shalt  }
0x74: {  	_ =	shalt  }
0x75: {  	_ =	shalt  }
0x76: {  	_ =	shalt  }
0x77: {  	_ =	shalt  }
0x78: {  	_ =	shalt  }
0x79: {  	_ =	shalt  }
0x7a: {  	_ =	shalt  }
0x7b: {  	_ =	shalt  }
0x7c: {  	_ =	shalt  }
0x7d: {  	_ =	shalt  }
0x7e: {  	_ =	shalt  }
0x7f: {  	_ =	shalt  }
0x80: {  	_ =	shalt  }
0x81: {  	_ =	shalt  }
0x82: {  	_ =	shalt  }
0x83: {  	_ =	shalt  }
0x84: {  	_ =	shalt  }
0x85: {  	_ =	shalt  }
0x86: {  	_ =	shalt  }
0x87: {  	_ =	shalt  }
.Lfunc_end0:
.L_simem_size_0:
called_computation.1_lowered:
.L_overlay_start_0:
0x88: {  	s2 =	sld [smem:$0x3FD9]  }
0x89: {  	s3 =	sld [smem:$0x3FFE];
	_ =	sdelay $0x1  }
0x8a: {  	s1 =	srdreg.scid  }
0x8b: {  	s0 =	sand.u32 $0x1, s1  }
0x8c: {  	s16 =	sshll.u32 s0, $0xA;
	s2 =	sadd.s32 s3, s2  }
0x8d: {  	s2 =	sadd.s32 s2, s16  }
0x8e: {  	[smem:$0x3FBD] =	sst s2  }
0x8f: {  	_ = 	snop  }
0x90: {  	(tm) =	ssettm $0x1  }
0x91: {  	s17 =	sld [smem:$0x3FFB];
	_ =	sdelay $0x3  }
0x92: {  	_ =	strace s17  }
0x93: {  	s2 =	sld [smem:$0x3FFC];
	_ =	sdelay $0x3  }
0x94: {  	_ =	strace s2  }
0x95: {  	s2 =	sld [smem:$0x3FFD];
	_ =	sdelay $0x3  }
0x96: {  	_ =	strace s2  }
0x97: {  	_ =	strace $0x8FFFFFFF  }
0x98: {  	s18 =	sld [smem:$0x3FDB];
	_ =	sdelay $0x1  }
0x99: {  	s19 =	simm.s32 $_scs_section_size  }
0x9a: {  	s4 =	simm.s32 $_size__tile_overlayer_lowered;
	s5 =	simm.s32 $_tile_overlayer_lowered  }
0x9b: {  	s22 =	simm.s32 $0x1BFF;
	s21 =	sshll.u32 s5, $0x1;
	s2 =	sadd.s32 s19, s18  }
0x9c: {  	s6 =	simm.s32 $0x0;
	s20 =	sshll.u32 s4, $0x1;
	s4 =	sadd.s32 s21, s2  }
0x9d: {  	[timem:s6], [sflag:s22] =	dma.local [hbm:s4], s20  }
0x9e: {  	_ =	swait.ge [sflag:s22], s20  }
0x9f: {  	s3 =	ssub.s32 $0x0, s20;
	[sflag:s22] =	ssyncset.done $0x0  }
0xa0: {  	[sflag:s22] =	ssyncadd.s32 s3;
	_ =	sdelay $0x1  }
0xa1: {  	s23 =	simm.s32 $0x1B8B  }
0xa2: {  	_ =	swait.ge [sflag:s23], $0x1  }
0xa3: {  	[sflag:s23] =	ssyncset.done $0x0  }
0xa4: {  	s25 =	simm.s32 $0x1B8E;
	s24 =	sld [smem:$0x3FFE];
	[sflag:s23] =	ssyncadd.s32 $0xFFFFFFFF  }
0xa5: {  	s26 =	simm.s32 $execute0_lowered;
	[smem:$0x3FD2] =	sst s25  }
0xa6: {  	s4 =	sshll.u32 s26, $0x1;
	_ =	strace $0x80000049;
	[dreg:$0x1] =	wrdreg $0xFFFFFFFF  }
0xa7: {  	s28 =	simm.s32 $_size_execute0_lowered;
	s2 =	sadd.s32 s2, s4;
	[dreg:$0x0] =	wrdreg $0x0  }
0xa8: {  	s4 =	sshll.u32 s28, $0x1;
	[dreg:$0x2] =	wrdreg s2  }
0xa9: {  	[dreg:$0x3] =	wrdreg s4  }
0xaa: {  	[dreg:$0x4] =	wrdreg $0xC0  }
0xab: {  	_ =	task [dreg:s6], $0x5FFFF  }
0xac: {  	[dreg:$0x1] =	wrdreg $0xFFFFFFFF  }
0xad: {  	[dreg:$0x0] =	wrdreg $0x60  }
0xae: {  	[dreg:$0x2] =	wrdreg s24  }
0xaf: {  	[dreg:$0x3] =	wrdreg $0xE0000  }
0xb0: {  	[dreg:$0x4] =	wrdreg $0x9  }
0xb1: {  	_ =	task.clear_ibuf [dreg:s6], $0x5FFFF;
	_ =	strace $0x90000049  }
0xb2: {  	s29 =	simm.s32 $0x9;
	_ =	strace $0x8000004B  }
0xb3: {  	_ =	swait.ge [sflag:s29], $0x1  }
0xb4: {  	[sflag:s29] =	ssyncadd.s32 $0xFFFFFFFF  }
0xb5: {  	_ =	strace $0x9000004B  }
0xb6: {  	_ =	sfence  }
0xb7: {  	s30 =	sld [smem:$0x0];
	_ =	sdelay $0x2  }
0xb8: {  	s31 =	sshll.u32 s1, $0xD;
	s1 =	sshrl.u32 s1, $0x2  }
0xb9: {  	s3 =	sand.u32 $0x4000, s31;
	s1 =	sadd.s32 s1, s30  }
0xba: {  	s0 =	sor.u32 s3, s0;
	s1 =	sshll.u32 s1, $0x11  }
0xbb: {  	s0 =	sor.u32 s1, s0  }
0xbc: {  	s0 =	sadd.s32 $0x8F2B, s0  }
0xbd: {  	[sflag:s0] =	ssyncadd.remote.s32 $0x1  }
0xbe: {  	_ =	sfence.sel $0xFFFF  }
0xbf: {  	[dreg:$0x0] =	wrdreg $0xFFFFFFFF;
	(pc) =	sbr.abs _section_cstart, $3  }
0xc0: {  	[dreg:$0x1] =	wrdreg $0xFFFFFFFF  }
0xc1: {  	_ =	task.clear_ibuf [dreg:s6], $0x2FFFF;
	_ =	strace $0x9FFFFFFF  }
0xc2: {  	(tm) =	ssettm $0x7FFFFFFF  }
0xc3: {  	_ =	shalt  }
tec
execute0_lowered:
.L_overlay_start_1:
0x0: {  	(tag) =	ssettag $0x1  }
0x1: {  	s6 =	rddreg [dreg:$0x0]  }
0x2: {  	s1 =	rddreg [dreg:$0x1]  }
0x3: {  	s2 =	srdreg.scid;
	s0 =	rddreg [dreg:$0x2]  }
0x4: {  	s3 =	simm.s32 $0x0;
	s15 =	simm.s32 $0xC000;
	s16 =	simm.s32 $0x1  }
0x5: {  	s17 =	simm.s32 $0x2;
	s18 =	simm.s32 $0x4F80;
	s5 =	sand.u32 $0x1, s2  }
0x6: {  	s19 =	simm.s32 $0x9F00;
	s2 =	stileid.u32;
	s7 =	smul.u32 $0xA000, s5  }
0x7: {  	s20 =	simm.s32 $0x9F80;
	[smem:$0x7FF] =	sst s3;
	s11 =	smul.u32 $0xA00, s2  }
0x8: {  	s4 =	sadd.s32 $0x16C00, s6;
	_ =	strace $0x8000004A;
	s9 =	smul.u32 $0x14000, s5  }
0x9: {  	s10 =	ssub.s32 $0x2, s5;
	s5 =	sadd.s32 $0xCC00, s6;
	s13 =	smul.u32 $0xA000, s2  }
0xa: {  	s30 =	sshll.u32 s2, $0x6;
	s12 =	sshrl.u32 s10, $0x1;
	s7 =	sadd.s32 s7, s6  }
0xb: {  	s8 =	sadd.s32 s11, s6;
	s9 =	sadd.s32 s9, s6;
	s10 =	ssub.s32 s10, s12  }
0xc: {  	s31 =	sadd.s32 s13, s1;
	s6 =	sor.u32 $0x1C03, s30;
	s22 =	sshrl.u32 s13, $0x3  }
0xd: {  	s12 =	simm.s32 $0x5000;
	s13 =	simm.s32 $0x80;
	s14 =	sadd.s32 $0x3DE00, s7  }
0xe: {  	s7 =	sadd.s32 $0x2A00, s8;
	s21 =	sadd.s32 $0xA1E00, s9;
	s8 =	smax.u32 s10, $0x1  }
0xf: {  	s9 =	sshrl.u32 s31, $0x3;
	s10 =	simm.s32 $0x3;
	s11 =	sadd.s32 s11, s14  }
0x10: {  	s14 =	simm.s32 $0xA000;
	s21 =	sadd.s32 s22, s21;
	s22 =	simm.s32 $0x0  }
.LBB2_1:
0x11: {  	[spmem:s9], [sflag:s6] =	dma.local [hbm:s5], $0x1400  }
0x12: {  	_ =	swait.ge [sflag:s10], $0x1400  }
0x13: {  	[sflag:s10] =	ssyncset.done $0x0  }
0x14: {  	[sflag:s10] =	ssyncadd.s32 $0xFFFFEC00  }
0x15: {  	[tilespmem:s3], [sflag:$0x3] =	stream.linear.gather [hbm4b:s11+s3], $0x5000, $0x38;
	[tilespmem:$0x18000] =	vst v63  }
0x16: {  	_ =	swait.ge [sflag:s10], $0x5000  }
0x17: {  	[sflag:s10] =	ssyncset.done $0x0  }
0x18: {  	[sflag:s10] =	ssyncadd.s32 $0xFFFFB000  }
0x19: {  	[tilespmem:s12], [sflag:$0x3] =	stream.linear.gather [hbm4b:s7+s3], $0x5000, $0x38;
	[tilespmem:$0x18000] =	vst v63  }
0x1a: {  	_ =	swait.ge [sflag:s10], $0x5000  }
0x1b: {  	[sflag:s10] =	ssyncset.done $0x0  }
0x1c: {  	[sflag:s10] =	ssyncadd.s32 $0xFFFFB000  }
0x1d: {  	[bflag:$0x0] =	sbarrier.arrive $0xFFFF  }
0x1e: {  	[tilespmem:s14], [sflag:$0x1] =	stream.indirect.gather [hbm4b:s4+s13], $0x40, s3, s13, $0xb8;
	[tilespmem:$0x18000] =	vst v63  }
0x1f: {  	s23 =	simm.s32 $0x80  }
0x20: {  	[tilespmem:s15], [sflag:$0x2] =	stream.indirect.gather [hbm4b:s4+s13], $0x40, s23, s13, $0xb8;
	[tilespmem:$0x18000] =	vst v63  }
0x21: {  	_ =	swait.ge [sflag:s16], $0x2000  }
0x22: {  	[sflag:s16] =	ssyncset.done $0x0  }
0x23: {  	s29 =	simm.s32 $0x5000;
	[sflag:s16] =	ssyncadd.s32 $0xFFFFE000  }
0x24: {  	[spmem:s1] =	stream.indirect.scatter.add.f32 [tilespmem:s14], [sflag:$0x3], $0x40, s29, s13, $0xb8;
	[tilespmem:$0x18000] =	vst v63  }
0x25: {  	_ =	swait.ge [sflag:s10], $0x2000  }
0x26: {  	[sflag:s10] =	ssyncset.done $0x0  }
0x27: {  	s30 =	simm.s32 $0x100;
	[sflag:s10] =	ssyncadd.s32 $0xFFFFE000  }
0x28: {  	[tilespmem:s14], [sflag:$0x1] =	stream.indirect.gather [hbm4b:s4+s13], $0x40, s30, s13, $0xb8;
	[tilespmem:$0x18000] =	vst v63  }
0x29: {  	_ =	swait.ge [sflag:s17], $0x2000  }
0x2a: {  	[sflag:s17] =	ssyncset.done $0x0  }
0x2b: {  	s31 =	simm.s32 $0x5080;
	[sflag:s17] =	ssyncadd.s32 $0xFFFFE000  }
0x2c: {  	[spmem:s1] =	stream.indirect.scatter.add.f32 [tilespmem:s15], [sflag:$0x3], $0x40, s31, s13, $0xb8;
	[tilespmem:$0x18000] =	vst v63  }
0x2d: {  	_ =	swait.ge [sflag:s10], $0x2000  }
0x2e: {  	s24 =	simm.s32 $0x800;
	s23 =	simm.s32 $0x100;
	[sflag:s10] =	ssyncset.done $0x0  }
.LBB2_2:
0x2f: {  	s25 =	sadd.s32 $0x80, s23  }
0x30: {  	[sflag:s10] =	ssyncadd.s32 $0xFFFFE000;
	s26 =	smov.u32 s24;
	s28 =	sadd.s32 $0x400, s24  }
0x31: {  	[tilespmem:s15], [sflag:$0x2] =	stream.indirect.gather [hbm4b:s4+s13], $0x40, s25, s13, $0xb8;
	[tilespmem:$0x18000] =	vst v63  }
0x32: {  	p0 =	sne.s32 s24, $0x13800;
	_ =	swait.ge [sflag:s16], $0x2000  }
0x33: {  	[sflag:s16] =	ssyncset.done $0x0  }
0x34: {  	s24 =	sadd.s32 $0x5000, s23;
	[sflag:s16] =	ssyncadd.s32 $0xFFFFE000  }
0x35: {  	[spmem:s1] =	stream.indirect.scatter.add.f32 [tilespmem:s14], [sflag:$0x3], $0x40, s24, s13, $0xb8;
	[tilespmem:$0x18000] =	vst v63  }
0x36: {  	_ =	swait.ge [sflag:s10], $0x2000  }
0x37: {  	[sflag:s10] =	ssyncset.done $0x0  }
0x38: {  	s24 =	sadd.s32 $0x100, s23;
	[sflag:s10] =	ssyncadd.s32 $0xFFFFE000  }
0x39: {  	[tilespmem:s14], [sflag:$0x1] =	stream.indirect.gather [hbm4b:s4+s13], $0x40, s24, s13, $0xb8;
	[tilespmem:$0x18000] =	vst v63  }
0x3a: {  	_ =	swait.ge [sflag:s17], $0x2000  }
.Ltmp0:
0x3b: {  	[sflag:s17] =	ssyncset.done $0x0;
	(pc) =	sbr.rel @p0 .LBB2_2-.Ltmp0, $4  }
0x3c: {  	s23 =	sadd.s32 $0x5080, s23;
	[sflag:s17] =	ssyncadd.s32 $0xFFFFE000  }
0x3d: {  	[spmem:s1] =	stream.indirect.scatter.add.f32 [tilespmem:s15], [sflag:$0x3], $0x40, s23, s13, $0xb8;
	[tilespmem:$0x18000] =	vst v63  }
0x3e: {  	_ =	swait.ge [sflag:s10], $0x2000  }
0x3f: {  	s24 =	smov.u32 s28;
	s23 =	sshra.s32 s26, $0x2;
	[sflag:s10] =	ssyncset.done $0x0  }
0x40: {  	s24 =	sadd.s32 $0x80, s23;
	[sflag:s10] =	ssyncadd.s32 $0xFFFFE000  }
0x41: {  	[tilespmem:s15], [sflag:$0x2] =	stream.indirect.gather [hbm4b:s4+s13], $0x40, s24, s13, $0xb8;
	[tilespmem:$0x18000] =	vst v63  }
0x42: {  	_ =	swait.ge [sflag:s16], $0x2000  }
0x43: {  	[sflag:s16] =	ssyncset.done $0x0  }
0x44: {  	s29 =	sadd.s32 $0x5000, s23;
	[sflag:s16] =	ssyncadd.s32 $0xFFFFE000  }
0x45: {  	[spmem:s1] =	stream.indirect.scatter.add.f32 [tilespmem:s14], [sflag:$0x3], $0x40, s29, s13, $0xb8;
	[tilespmem:$0x18000] =	vst v63  }
0x46: {  	_ =	swait.ge [sflag:s10], $0x2000  }
0x47: {  	[sflag:s10] =	ssyncset.done $0x0  }
0x48: {  	s30 =	sadd.s32 $0x100, s23;
	[sflag:s10] =	ssyncadd.s32 $0xFFFFE000  }
0x49: {  	[tilespmem:s14], [sflag:$0x1] =	stream.indirect.gather [hbm4b:s4+s13], $0x40, s30, s13, $0xb8;
	[tilespmem:$0x18000] =	vst v63  }
0x4a: {  	_ =	swait.ge [sflag:s17], $0x2000  }
0x4b: {  	[sflag:s17] =	ssyncset.done $0x0  }
0x4c: {  	s31 =	sadd.s32 $0x5080, s23;
	[sflag:s17] =	ssyncadd.s32 $0xFFFFE000  }
0x4d: {  	[spmem:s1] =	stream.indirect.scatter.add.f32 [tilespmem:s15], [sflag:$0x3], $0x40, s31, s13, $0xb8;
	[tilespmem:$0x18000] =	vst v63  }
0x4e: {  	_ =	swait.ge [sflag:s10], $0x2000  }
0x4f: {  	[sflag:s10] =	ssyncset.done $0x0  }
0x50: {  	[sflag:s10] =	ssyncadd.s32 $0xFFFFE000  }
0x51: {  	[tilespmem:s15], [sflag:$0x2] =	stream.indirect.gather [hbm4b:s4+s13], $0x40, s18, s13, $0xb8;
	[tilespmem:$0x18000] =	vst v63  }
0x52: {  	_ =	swait.ge [sflag:s16], $0x2000  }
0x53: {  	[sflag:s16] =	ssyncset.done $0x0  }
0x54: {  	[sflag:s16] =	ssyncadd.s32 $0xFFFFE000  }
0x55: {  	[spmem:s1] =	stream.indirect.scatter.add.f32 [tilespmem:s14], [sflag:$0x3], $0x40, s19, s13, $0xb8;
	[tilespmem:$0x18000] =	vst v63  }
0x56: {  	_ =	swait.ge [sflag:s10], $0x2000  }
0x57: {  	[sflag:s10] =	ssyncset.done $0x0  }
0x58: {  	[sflag:s10] =	ssyncadd.s32 $0xFFFFE000  }
0x59: {  	_ =	swait.ge [sflag:s17], $0x2000  }
0x5a: {  	[sflag:s17] =	ssyncset.done $0x0  }
0x5b: {  	[sflag:s17] =	ssyncadd.s32 $0xFFFFE000  }
0x5c: {  	[spmem:s1] =	stream.indirect.scatter.add.f32 [tilespmem:s15], [sflag:$0x3], $0x40, s20, s13, $0xb8;
	[tilespmem:$0x18000] =	vst v63  }
0x5d: {  	_ =	swait.ge [sflag:s10], $0x2000  }
0x5e: {  	s22 =	sadd.s32 $0x1, s22;
	[sflag:s10] =	ssyncset.done $0x0  }
0x5f: {  	p0 =	sne.s32 s22, s8;
	[sflag:s10] =	ssyncadd.s32 $0xFFFFE000  }
.Ltmp1:
0x60: {  	[bflag:$0x0] =	sbarrier.arrive $0xFFFF;
	(pc) =	sbr.rel @p0 .LBB2_1-.Ltmp1, $4  }
0x61: {  	[hbm:s21], [sflag:s6] =	dma.local [spmem:s9], $0x1400  }
0x62: {  	_ =	swait.ge [sflag:s10], $0x1400  }
0x63: {  	[sflag:s10] =	ssyncset.done $0x0  }
0x64: {  	[sflag:s10] =	ssyncadd.s32 $0xFFFFEC00  }
0x65: {  	_ =	sfence.sel $0x180000  }
0x66: {  	[bflag:$0x0] =	sbarrier.arrive $0xFFFF  }
0x67: {  	p0 =	sne.s32 s2, $0x0;
	_ =	strace $0x9000004A  }
0x68: {  	s0 =	sadd.s32 @!p0 $0x100000, s0;
	[bflag:$0x2] =	sbarrier.arrive $0xFFFF  }
0x69: {  	[sflag:s0] =	ssyncadd.tile.s32 @!p0 $0x1;
	_ =	shalt  }
.Lfunc_end2:
_tile_overlayer_lowered:
.L_overlay_start_2:
0x6a: {  	(tag) =	ssettag $0x2  }
0x6b: {  	s0 =	rddreg [dreg:$0x0];
	s2 =	stileid.u32  }
0x6c: {  	s1 =	rddreg [dreg:$0x1];
	p0 =	sne.s32 s2, $0x0  }
0x6d: {  	s3 =	rddreg [dreg:$0x2];
	[bflag:$0x3] =	sbarrier.arrive $0xFFFF;
	s2 =	simm.s32 @!p0 $0x1C03  }
0x6e: {  	[timem:s3], [sflag:s2] =	dma.local @!p0 [hbm:s0], s1  }
0x6f: {  	s0 =	simm.s32 @!p0 $0x3  }
0x70: {  	_ =	swait.ge @!p0 [sflag:s0], s1  }
0x71: {  	s1 =	ssub.s32 @!p0 $0x0, s1;
	[sflag:s0] =	ssyncset.done @!p0 $0x0  }
0x72: {  	[sflag:s0] =	ssyncadd.s32 @!p0 s1  }
0x73: {  	[bflag:$0x3] =	sbarrier.arrive $0xFFFF  }
0x74: {  	_ =	shalt  }

// kernel: kernel.15.cloned.1.call-start
scs
__scs_entry_jumppad:
0x0: {  	(pc) =	sbr.rel $0x88, $3  }
0x1: {  	(tag) =	ssettag $0x0;
	lr =	simm.s32 $0x1  }
0x2: {  	[smem:$0x3F96] =	sst lr;
	_ =	strace $0xD0000000  }
0x3: {  	_ = 	snop  }
0x4: {  	_ = 	snop  }
0x5: {  	_ = 	snop  }
0x6: {  	_ = 	snop  }
0x7: {  	_ = 	snop  }
__scs_overlays_trampoline_lowered:
0x8: {  	[smem:$0x3FA5] =	sst s0  }
0x9: {  	[smem:$0x3FA6] =	sst s1  }
0xa: {  	[smem:$0x3FA7] =	sst s2  }
0xb: {  	[smem:$0x3FA8] =	sst s3  }
0xc: {  	[smem:$0x3FA9] =	sst s4  }
0xd: {  	[smem:$0x3FAA] =	sst s5  }
0xe: {  	[smem:$0x3FAB] =	sst s6  }
0xf: {  	[smem:$0x3FAC] =	sst s7  }
0x10: {  	[smem:$0x3FAD] =	sst s8  }
0x11: {  	[smem:$0x3FAE] =	sst s9;
	s0 =	simm.s32 @!p0 $0x0  }
0x12: {  	s1 =	sld [smem:$0x3F94];
	s0 =	simm.s32 @p0 $0x1  }
0x13: {  	[smem:$0x3FAF] =	sst s0;
	s0 =	simm.s32 @!p1 $0x0  }
0x14: {  	s2 =	sld [smem:$0x3F93];
	s0 =	simm.s32 @p1 $0x1  }
0x15: {  	[smem:$0x3FB0] =	sst s0;
	s0 =	simm.s32 @!p2 $0x0  }
0x16: {  	s3 =	sld [smem:$0x3FDB];
	s0 =	simm.s32 @p2 $0x1  }
0x17: {  	s4 =	simm.s32 $0x1BF5;
	[smem:$0x3FB2] =	sst s0  }
0x18: {  	s0 =	sld [smem:$0x3F95];
	_ =	swait.ge [sflag:s4], $0x0  }
0x19: {  	s7 =	sld [smem:$0x3F96]  }
0x1a: {  	s8 =	sadd.s32 $0xFFFFE003, lr  }
0x1b: {  	s9 =	sadd.s32 $0xFFFFFEF7, lr;
	s5 =	simm.s32 $0xFFFFFFFF;
	p2 =	slt.u32 s8, $0xFFFFF086  }
0x1c: {  	p1 =	slt.u32 s9, $0xF7A;
	s5 =	simm.s32 @!p2 $0x0  }
0x1d: {  	s5 =	simm.s32 @p1 $0x1;
	p0 =	seq.s32 s7, s2  }
0x1e: {  	s7 =	smul.u32 @!p0 $0xF7A, s2;
	p2 =	seq.s32 @!p0 s5, $0x0  }
0x1f: {  	s9 =	smul.u32 $0xF7A, s1;
	s8 =	simm.s32 @!p0 $0x1BF5;
	p2 =	por !p2, p0  }
0x20: {  	[sflag:s8] =	ssyncset.s32 @!p0 $0xFFFFF086;
	s6 =	sadd.s32 @!p0 s3, s7;
	s7 =	simm.s32 @!p0 $0x108  }
0x21: {  	s3 =	sadd.s32 s3, s9;
	s6 =	sadd.s32 @!p0 $0x88, s6;
	s7 =	simm.s32 @p2 $0x1082  }
0x22: {  	[simem:s7], [sflag:s8] =	dma.local @!p0 [hbm:s6], $0xF7A  }
0x23: {  	s9 =	sor.u32 $0xD0000000, s2;
	s6 =	simm.s32 $0x108;
	_ =	swait.ge @!p0 [sflag:s8], $0x0  }
0x24: {  	s3 =	sadd.s32 $0x88, s3;
	s6 =	simm.s32 @!p1 $0x1082;
	[sflag:s4] =	ssyncset.s32 $0xFFFFF086  }
0x25: {  	[simem:s6], [sflag:s4] =	dma.local [hbm:s3], $0xF7A  }
0x26: {  	[smem:$0x3F96] =	sst s1;
	(tag) =	ssettag s2;
	_ =	strace s9  }
0x27: {  	s1 =	sld [smem:$0x3FA6]  }
0x28: {  	s2 =	sld [smem:$0x3FA7]  }
0x29: {  	s4 =	sld [smem:$0x3FA9]  }
0x2a: {  	p0 =	seq.s32 s5, $0x0;
	s5 =	sld [smem:$0x3FAA]  }
0x2b: {  	s6 =	sld [smem:$0x3FAB]  }
0x2c: {  	s7 =	sld [smem:$0x3FAC]  }
0x2d: {  	s3 =	simm.s32 $0x108;
	s8 =	sld [smem:$0x3FAD]  }
0x2e: {  	s3 =	simm.s32 @!p0 $0x1082;
	s9 =	sld [smem:$0x3FAE]  }
0x2f: {  	lr =	sadd.s32 s0, s3;
	s0 =	sld [smem:$0x3FA5]  }
0x30: {  	s3 =	sld [smem:$0x3FA8]  }
0x31: {  	[smem:$0x3FB1] =	sst s10  }
0x32: {  	s10 =	sld [smem:$0x3FAF];
	_ =	sdelay $0x3  }
0x33: {  	p0 =	seq.s32 s10, $0x1;
	s10 =	sld [smem:$0x3FB1];
	_ =	sdelay $0x3  }
0x34: {  	[smem:$0x3FB1] =	sst s10  }
0x35: {  	s10 =	sld [smem:$0x3FB0];
	_ =	sdelay $0x3  }
0x36: {  	p1 =	seq.s32 s10, $0x1;
	s10 =	sld [smem:$0x3FB1];
	_ =	sdelay $0x3  }
0x37: {  	[smem:$0x3FB1] =	sst s10  }
0x38: {  	s10 =	sld [smem:$0x3FB2]  }
0x39: {  	_ = 	snop;
	(pc) =	sbr.ind lr, $3  }
0x3a: {  	_ = 	snop  }
0x3b: {  	_ = 	snop  }
0x3c: {  	p2 =	seq.s32 s10, $0x1;
	s10 =	sld [smem:$0x3FB1]  }
0x3d: {  	_ =	shalt  }
0x3e: {  	_ =	shalt  }
0x3f: {  	_ =	shalt  }
0x40: {  	_ =	shalt  }
0x41: {  	_ =	shalt  }
0x42: {  	_ =	shalt  }
0x43: {  	_ =	shalt  }
0x44: {  	_ =	shalt  }
0x45: {  	_ =	shalt  }
0x46: {  	_ =	shalt  }
0x47: {  	_ =	shalt  }
0x48: {  	_ =	shalt  }
0x49: {  	_ =	shalt  }
0x4a: {  	_ =	shalt  }
0x4b: {  	_ =	shalt  }
0x4c: {  	_ =	shalt  }
0x4d: {  	_ =	shalt  }
0x4e: {  	_ =	shalt  }
0x4f: {  	_ =	shalt  }
0x50: {  	_ =	shalt  }
0x51: {  	_ =	shalt  }
0x52: {  	_ =	shalt  }
0x53: {  	_ =	shalt  }
0x54: {  	_ =	shalt  }
0x55: {  	_ =	shalt  }
0x56: {  	_ =	shalt  }
0x57: {  	_ =	shalt  }
0x58: {  	_ =	shalt  }
0x59: {  	_ =	shalt  }
0x5a: {  	_ =	shalt  }
0x5b: {  	_ =	shalt  }
0x5c: {  	_ =	shalt  }
0x5d: {  	_ =	shalt  }
0x5e: {  	_ =	shalt  }
0x5f: {  	_ =	shalt  }
0x60: {  	_ =	shalt  }
0x61: {  	_ =	shalt  }
0x62: {  	_ =	shalt  }
0x63: {  	_ =	shalt  }
0x64: {  	_ =	shalt  }
0x65: {  	_ =	shalt  }
0x66: {  	_ =	shalt  }
0x67: {  	_ =	shalt  }
0x68: {  	_ =	shalt  }
0x69: {  	_ =	shalt  }
0x6a: {  	_ =	shalt  }
0x6b: {  	_ =	shalt  }
0x6c: {  	_ =	shalt  }
0x6d: {  	_ =	shalt  }
0x6e: {  	_ =	shalt  }
0x6f: {  	_ =	shalt  }
0x70: {  	_ =	shalt  }
0x71: {  	_ =	shalt  }
0x72: {  	_ =	shalt  }
0x73: {  	_ =	shalt  }
0x74: {  	_ =	shalt  }
0x75: {  	_ =	shalt  }
0x76: {  	_ =	shalt  }
0x77: {  	_ =	shalt  }
0x78: {  	_ =	shalt  }
0x79: {  	_ =	shalt  }
0x7a: {  	_ =	shalt  }
0x7b: {  	_ =	shalt  }
0x7c: {  	_ =	shalt  }
0x7d: {  	_ =	shalt  }
0x7e: {  	_ =	shalt  }
0x7f: {  	_ =	shalt  }
0x80: {  	_ =	shalt  }
0x81: {  	_ =	shalt  }
0x82: {  	_ =	shalt  }
0x83: {  	_ =	shalt  }
0x84: {  	_ =	shalt  }
0x85: {  	_ =	shalt  }
0x86: {  	_ =	shalt  }
0x87: {  	_ =	shalt  }
.Lfunc_end0:
.L_simem_size_0:
called_computation.2_lowered:
.L_overlay_start_0:
0x88: {  	s2 =	sld [smem:$0x3FD9]  }
0x89: {  	s3 =	sld [smem:$0x3FFE];
	_ =	sdelay $0x1  }
0x8a: {  	s1 =	srdreg.scid  }
0x8b: {  	s0 =	sand.u32 $0x1, s1  }
0x8c: {  	s16 =	sshll.u32 s0, $0xA;
	s2 =	sadd.s32 s3, s2  }
0x8d: {  	s2 =	sadd.s32 s2, s16  }
0x8e: {  	[smem:$0x3FBD] =	sst s2  }
0x8f: {  	_ = 	snop  }
0x90: {  	(tm) =	ssettm $0x1  }
0x91: {  	s17 =	sld [smem:$0x3FFB];
	_ =	sdelay $0x3  }
0x92: {  	_ =	strace s17  }
0x93: {  	s2 =	sld [smem:$0x3FFC];
	_ =	sdelay $0x3  }
0x94: {  	_ =	strace s2  }
0x95: {  	s2 =	sld [smem:$0x3FFD];
	_ =	sdelay $0x3  }
0x96: {  	_ =	strace s2  }
0x97: {  	_ =	strace $0x8FFFFFFF  }
0x98: {  	s18 =	sld [smem:$0x3FDB];
	_ =	sdelay $0x1  }
0x99: {  	s19 =	simm.s32 $_scs_section_size  }
0x9a: {  	s4 =	simm.s32 $_size__tile_overlayer_lowered;
	s5 =	simm.s32 $_tile_overlayer_lowered  }
0x9b: {  	s22 =	simm.s32 $0x1BFF;
	s21 =	sshll.u32 s5, $0x1;
	s2 =	sadd.s32 s19, s18  }
0x9c: {  	s6 =	simm.s32 $0x0;
	s20 =	sshll.u32 s4, $0x1;
	s4 =	sadd.s32 s21, s2  }
0x9d: {  	[timem:s6], [sflag:s22] =	dma.local [hbm:s4], s20  }
0x9e: {  	_ =	swait.ge [sflag:s22], s20  }
0x9f: {  	s3 =	ssub.s32 $0x0, s20;
	[sflag:s22] =	ssyncset.done $0x0  }
0xa0: {  	[sflag:s22] =	ssyncadd.s32 s3;
	_ =	sdelay $0x1  }
0xa1: {  	s23 =	simm.s32 $0x1B8B  }
0xa2: {  	_ =	swait.ge [sflag:s23], $0x1  }
0xa3: {  	[sflag:s23] =	ssyncset.done $0x0  }
0xa4: {  	s25 =	simm.s32 $0x1B8E;
	s24 =	sld [smem:$0x3FFE];
	[sflag:s23] =	ssyncadd.s32 $0xFFFFFFFF  }
0xa5: {  	s26 =	simm.s32 $execute0_lowered;
	[smem:$0x3FD2] =	sst s25  }
0xa6: {  	s4 =	sshll.u32 s26, $0x1;
	_ =	strace $0x8000004C;
	[dreg:$0x1] =	wrdreg $0xFFFFFFFF  }
0xa7: {  	s28 =	simm.s32 $_size_execute0_lowered;
	s2 =	sadd.s32 s2, s4;
	[dreg:$0x0] =	wrdreg $0x0  }
0xa8: {  	s4 =	sshll.u32 s28, $0x1;
	[dreg:$0x2] =	wrdreg s2  }
0xa9: {  	[dreg:$0x3] =	wrdreg s4  }
0xaa: {  	[dreg:$0x4] =	wrdreg $0xC0  }
0xab: {  	_ =	task [dreg:s6], $0x5FFFF  }
0xac: {  	[dreg:$0x1] =	wrdreg $0xFFFFFFFF  }
0xad: {  	[dreg:$0x0] =	wrdreg $0x60  }
0xae: {  	[dreg:$0x2] =	wrdreg s24  }
0xaf: {  	[dreg:$0x3] =	wrdreg $0xE0000  }
0xb0: {  	[dreg:$0x4] =	wrdreg $0x9  }
0xb1: {  	_ =	task.clear_ibuf [dreg:s6], $0x5FFFF;
	_ =	strace $0x9000004C  }
0xb2: {  	s29 =	simm.s32 $0x9;
	_ =	strace $0x8000004E  }
0xb3: {  	_ =	swait.ge [sflag:s29], $0x1  }
0xb4: {  	[sflag:s29] =	ssyncadd.s32 $0xFFFFFFFF  }
0xb5: {  	_ =	strace $0x9000004E  }
0xb6: {  	_ =	sfence  }
0xb7: {  	s30 =	sld [smem:$0x0];
	_ =	sdelay $0x2  }
0xb8: {  	s31 =	sshll.u32 s1, $0xD;
	s1 =	sshrl.u32 s1, $0x2  }
0xb9: {  	s3 =	sand.u32 $0x4000, s31;
	s1 =	sadd.s32 s1, s30  }
0xba: {  	s0 =	sor.u32 s3, s0;
	s1 =	sshll.u32 s1, $0x11  }
0xbb: {  	s0 =	sor.u32 s1, s0  }
0xbc: {  	s0 =	sadd.s32 $0x8F2B, s0  }
0xbd: {  	[sflag:s0] =	ssyncadd.remote.s32 $0x1  }
0xbe: {  	_ =	sfence.sel $0xFFFF  }
0xbf: {  	[dreg:$0x0] =	wrdreg $0xFFFFFFFF;
	(pc) =	sbr.abs _section_cstart, $3  }
0xc0: {  	[dreg:$0x1] =	wrdreg $0xFFFFFFFF  }
0xc1: {  	_ =	task.clear_ibuf [dreg:s6], $0x2FFFF;
	_ =	strace $0x9FFFFFFF  }
0xc2: {  	(tm) =	ssettm $0x7FFFFFFF  }
0xc3: {  	_ =	shalt  }
tec
execute0_lowered:
.L_overlay_start_1:
0x0: {  	(tag) =	ssettag $0x1  }
0x1: {  	s6 =	rddreg [dreg:$0x0]  }
0x2: {  	s1 =	rddreg [dreg:$0x1]  }
0x3: {  	s2 =	srdreg.scid;
	s0 =	rddreg [dreg:$0x2]  }
0x4: {  	s3 =	simm.s32 $0x0;
	s15 =	simm.s32 $0xC000;
	s16 =	simm.s32 $0x1  }
0x5: {  	s17 =	simm.s32 $0x2;
	s18 =	simm.s32 $0x4F80;
	s5 =	sand.u32 $0x1, s2  }
0x6: {  	s19 =	simm.s32 $0x9F00;
	s2 =	stileid.u32;
	s7 =	smul.u32 $0xA000, s5  }
0x7: {  	s20 =	simm.s32 $0x9F80;
	[smem:$0x7FF] =	sst s3;
	s11 =	smul.u32 $0xA00, s2  }
0x8: {  	s4 =	sadd.s32 $0xE000, s6;
	_ =	strace $0x8000004D;
	s9 =	smul.u32 $0x14000, s5  }
0x9: {  	s10 =	ssub.s32 $0x2, s5;
	s5 =	sadd.s32 $0xCC00, s6;
	s13 =	smul.u32 $0xA000, s2  }
0xa: {  	s30 =	sshll.u32 s2, $0x6;
	s12 =	sshrl.u32 s10, $0x1;
	s7 =	sadd.s32 s7, s6  }
0xb: {  	s8 =	sadd.s32 s11, s6;
	s9 =	sadd.s32 s9, s6;
	s10 =	ssub.s32 s10, s12  }
0xc: {  	s31 =	sadd.s32 s13, s1;
	s6 =	sor.u32 $0x1C03, s30;
	s22 =	sshrl.u32 s13, $0x3  }
0xd: {  	s12 =	simm.s32 $0x5000;
	s13 =	simm.s32 $0x80;
	s14 =	sadd.s32 $0x3DE00, s7  }
0xe: {  	s7 =	sadd.s32 $0x2A00, s8;
	s21 =	sadd.s32 $0xF0000, s9;
	s8 =	smax.u32 s10, $0x1  }
0xf: {  	s9 =	sshrl.u32 s31, $0x3;
	s10 =	simm.s32 $0x3;
	s11 =	sadd.s32 s11, s14  }
0x10: {  	s14 =	simm.s32 $0xA000;
	s21 =	sadd.s32 s22, s21;
	s22 =	simm.s32 $0x0  }
.LBB2_1:
0x11: {  	[spmem:s9], [sflag:s6] =	dma.local [hbm:s5], $0x1400  }
0x12: {  	_ =	swait.ge [sflag:s10], $0x1400  }
0x13: {  	[sflag:s10] =	ssyncset.done $0x0  }
0x14: {  	[sflag:s10] =	ssyncadd.s32 $0xFFFFEC00  }
0x15: {  	[tilespmem:s3], [sflag:$0x3] =	stream.linear.gather [hbm4b:s11+s3], $0x5000, $0x38;
	[tilespmem:$0x18000] =	vst v63  }
0x16: {  	_ =	swait.ge [sflag:s10], $0x5000  }
0x17: {  	[sflag:s10] =	ssyncset.done $0x0  }
0x18: {  	[sflag:s10] =	ssyncadd.s32 $0xFFFFB000  }
0x19: {  	[tilespmem:s12], [sflag:$0x3] =	stream.linear.gather [hbm4b:s7+s3], $0x5000, $0x38;
	[tilespmem:$0x18000] =	vst v63  }
0x1a: {  	_ =	swait.ge [sflag:s10], $0x5000  }
0x1b: {  	[sflag:s10] =	ssyncset.done $0x0  }
0x1c: {  	[sflag:s10] =	ssyncadd.s32 $0xFFFFB000  }
0x1d: {  	[bflag:$0x0] =	sbarrier.arrive $0xFFFF  }
0x1e: {  	[tilespmem:s14], [sflag:$0x1] =	stream.indirect.gather [hbm4b:s4+s13], $0x40, s3, s13, $0xb8;
	[tilespmem:$0x18000] =	vst v63  }
0x1f: {  	s23 =	simm.s32 $0x80  }
0x20: {  	[tilespmem:s15], [sflag:$0x2] =	stream.indirect.gather [hbm4b:s4+s13], $0x40, s23, s13, $0xb8;
	[tilespmem:$0x18000] =	vst v63  }
0x21: {  	_ =	swait.ge [sflag:s16], $0x2000  }
0x22: {  	[sflag:s16] =	ssyncset.done $0x0  }
0x23: {  	s29 =	simm.s32 $0x5000;
	[sflag:s16] =	ssyncadd.s32 $0xFFFFE000  }
0x24: {  	[spmem:s1] =	stream.indirect.scatter.add.f32 [tilespmem:s14], [sflag:$0x3], $0x40, s29, s13, $0xb8;
	[tilespmem:$0x18000] =	vst v63  }
0x25: {  	_ =	swait.ge [sflag:s10], $0x2000  }
0x26: {  	[sflag:s10] =	ssyncset.done $0x0  }
0x27: {  	s30 =	simm.s32 $0x100;
	[sflag:s10] =	ssyncadd.s32 $0xFFFFE000  }
0x28: {  	[tilespmem:s14], [sflag:$0x1] =	stream.indirect.gather [hbm4b:s4+s13], $0x40, s30, s13, $0xb8;
	[tilespmem:$0x18000] =	vst v63  }
0x29: {  	_ =	swait.ge [sflag:s17], $0x2000  }
0x2a: {  	[sflag:s17] =	ssyncset.done $0x0  }
0x2b: {  	s31 =	simm.s32 $0x5080;
	[sflag:s17] =	ssyncadd.s32 $0xFFFFE000  }
0x2c: {  	[spmem:s1] =	stream.indirect.scatter.add.f32 [tilespmem:s15], [sflag:$0x3], $0x40, s31, s13, $0xb8;
	[tilespmem:$0x18000] =	vst v63  }
0x2d: {  	_ =	swait.ge [sflag:s10], $0x2000  }
0x2e: {  	s24 =	simm.s32 $0x800;
	s23 =	simm.s32 $0x100;
	[sflag:s10] =	ssyncset.done $0x0  }
.LBB2_2:
0x2f: {  	s25 =	sadd.s32 $0x80, s23  }
0x30: {  	[sflag:s10] =	ssyncadd.s32 $0xFFFFE000;
	s26 =	smov.u32 s24;
	s28 =	sadd.s32 $0x400, s24  }
0x31: {  	[tilespmem:s15], [sflag:$0x2] =	stream.indirect.gather [hbm4b:s4+s13], $0x40, s25, s13, $0xb8;
	[tilespmem:$0x18000] =	vst v63  }
0x32: {  	p0 =	sne.s32 s24, $0x13800;
	_ =	swait.ge [sflag:s16], $0x2000  }
0x33: {  	[sflag:s16] =	ssyncset.done $0x0  }
0x34: {  	s24 =	sadd.s32 $0x5000, s23;
	[sflag:s16] =	ssyncadd.s32 $0xFFFFE000  }
0x35: {  	[spmem:s1] =	stream.indirect.scatter.add.f32 [tilespmem:s14], [sflag:$0x3], $0x40, s24, s13, $0xb8;
	[tilespmem:$0x18000] =	vst v63  }
0x36: {  	_ =	swait.ge [sflag:s10], $0x2000  }
0x37: {  	[sflag:s10] =	ssyncset.done $0x0  }
0x38: {  	s24 =	sadd.s32 $0x100, s23;
	[sflag:s10] =	ssyncadd.s32 $0xFFFFE000  }
0x39: {  	[tilespmem:s14], [sflag:$0x1] =	stream.indirect.gather [hbm4b:s4+s13], $0x40, s24, s13, $0xb8;
	[tilespmem:$0x18000] =	vst v63  }
0x3a: {  	_ =	swait.ge [sflag:s17], $0x2000  }
.Ltmp0:
0x3b: {  	[sflag:s17] =	ssyncset.done $0x0;
	(pc) =	sbr.rel @p0 .LBB2_2-.Ltmp0, $4  }
0x3c: {  	s23 =	sadd.s32 $0x5080, s23;
	[sflag:s17] =	ssyncadd.s32 $0xFFFFE000  }
0x3d: {  	[spmem:s1] =	stream.indirect.scatter.add.f32 [tilespmem:s15], [sflag:$0x3], $0x40, s23, s13, $0xb8;
	[tilespmem:$0x18000] =	vst v63  }
0x3e: {  	_ =	swait.ge [sflag:s10], $0x2000  }
0x3f: {  	s24 =	smov.u32 s28;
	s23 =	sshra.s32 s26, $0x2;
	[sflag:s10] =	ssyncset.done $0x0  }
0x40: {  	s24 =	sadd.s32 $0x80, s23;
	[sflag:s10] =	ssyncadd.s32 $0xFFFFE000  }
0x41: {  	[tilespmem:s15], [sflag:$0x2] =	stream.indirect.gather [hbm4b:s4+s13], $0x40, s24, s13, $0xb8;
	[tilespmem:$0x18000] =	vst v63  }
0x42: {  	_ =	swait.ge [sflag:s16], $0x2000  }
0x43: {  	[sflag:s16] =	ssyncset.done $0x0  }
0x44: {  	s29 =	sadd.s32 $0x5000, s23;
	[sflag:s16] =	ssyncadd.s32 $0xFFFFE000  }
0x45: {  	[spmem:s1] =	stream.indirect.scatter.add.f32 [tilespmem:s14], [sflag:$0x3], $0x40, s29, s13, $0xb8;
	[tilespmem:$0x18000] =	vst v63  }
0x46: {  	_ =	swait.ge [sflag:s10], $0x2000  }
0x47: {  	[sflag:s10] =	ssyncset.done $0x0  }
0x48: {  	s30 =	sadd.s32 $0x100, s23;
	[sflag:s10] =	ssyncadd.s32 $0xFFFFE000  }
0x49: {  	[tilespmem:s14], [sflag:$0x1] =	stream.indirect.gather [hbm4b:s4+s13], $0x40, s30, s13, $0xb8;
	[tilespmem:$0x18000] =	vst v63  }
0x4a: {  	_ =	swait.ge [sflag:s17], $0x2000  }
0x4b: {  	[sflag:s17] =	ssyncset.done $0x0  }
0x4c: {  	s31 =	sadd.s32 $0x5080, s23;
	[sflag:s17] =	ssyncadd.s32 $0xFFFFE000  }
0x4d: {  	[spmem:s1] =	stream.indirect.scatter.add.f32 [tilespmem:s15], [sflag:$0x3], $0x40, s31, s13, $0xb8;
	[tilespmem:$0x18000] =	vst v63  }
0x4e: {  	_ =	swait.ge [sflag:s10], $0x2000  }
0x4f: {  	[sflag:s10] =	ssyncset.done $0x0  }
0x50: {  	[sflag:s10] =	ssyncadd.s32 $0xFFFFE000  }
0x51: {  	[tilespmem:s15], [sflag:$0x2] =	stream.indirect.gather [hbm4b:s4+s13], $0x40, s18, s13, $0xb8;
	[tilespmem:$0x18000] =	vst v63  }
0x52: {  	_ =	swait.ge [sflag:s16], $0x2000  }
0x53: {  	[sflag:s16] =	ssyncset.done $0x0  }
0x54: {  	[sflag:s16] =	ssyncadd.s32 $0xFFFFE000  }
0x55: {  	[spmem:s1] =	stream.indirect.scatter.add.f32 [tilespmem:s14], [sflag:$0x3], $0x40, s19, s13, $0xb8;
	[tilespmem:$0x18000] =	vst v63  }
0x56: {  	_ =	swait.ge [sflag:s10], $0x2000  }
0x57: {  	[sflag:s10] =	ssyncset.done $0x0  }
0x58: {  	[sflag:s10] =	ssyncadd.s32 $0xFFFFE000  }
0x59: {  	_ =	swait.ge [sflag:s17], $0x2000  }
0x5a: {  	[sflag:s17] =	ssyncset.done $0x0  }
0x5b: {  	[sflag:s17] =	ssyncadd.s32 $0xFFFFE000  }
0x5c: {  	[spmem:s1] =	stream.indirect.scatter.add.f32 [tilespmem:s15], [sflag:$0x3], $0x40, s20, s13, $0xb8;
	[tilespmem:$0x18000] =	vst v63  }
0x5d: {  	_ =	swait.ge [sflag:s10], $0x2000  }
0x5e: {  	s22 =	sadd.s32 $0x1, s22;
	[sflag:s10] =	ssyncset.done $0x0  }
0x5f: {  	p0 =	sne.s32 s22, s8;
	[sflag:s10] =	ssyncadd.s32 $0xFFFFE000  }
.Ltmp1:
0x60: {  	[bflag:$0x0] =	sbarrier.arrive $0xFFFF;
	(pc) =	sbr.rel @p0 .LBB2_1-.Ltmp1, $4  }
0x61: {  	[hbm:s21], [sflag:s6] =	dma.local [spmem:s9], $0x1400  }
0x62: {  	_ =	swait.ge [sflag:s10], $0x1400  }
0x63: {  	[sflag:s10] =	ssyncset.done $0x0  }
0x64: {  	[sflag:s10] =	ssyncadd.s32 $0xFFFFEC00  }
0x65: {  	_ =	sfence.sel $0x180000  }
0x66: {  	[bflag:$0x0] =	sbarrier.arrive $0xFFFF  }
0x67: {  	p0 =	sne.s32 s2, $0x0;
	_ =	strace $0x9000004D  }
0x68: {  	s0 =	sadd.s32 @!p0 $0x100000, s0;
	[bflag:$0x2] =	sbarrier.arrive $0xFFFF  }
0x69: {  	[sflag:s0] =	ssyncadd.tile.s32 @!p0 $0x1;
	_ =	shalt  }
.Lfunc_end2:
_tile_overlayer_lowered:
.L_overlay_start_2:
0x6a: {  	(tag) =	ssettag $0x2  }
0x6b: {  	s0 =	rddreg [dreg:$0x0];
	s2 =	stileid.u32  }
0x6c: {  	s1 =	rddreg [dreg:$0x1];
	p0 =	sne.s32 s2, $0x0  }
0x6d: {  	s3 =	rddreg [dreg:$0x2];
	[bflag:$0x3] =	sbarrier.arrive $0xFFFF;
	s2 =	simm.s32 @!p0 $0x1C03  }
0x6e: {  	[timem:s3], [sflag:s2] =	dma.local @!p0 [hbm:s0], s1  }
0x6f: {  	s0 =	simm.s32 @!p0 $0x3  }
0x70: {  	_ =	swait.ge @!p0 [sflag:s0], s1  }
0x71: {  	s1 =	ssub.s32 @!p0 $0x0, s1;
	[sflag:s0] =	ssyncset.done @!p0 $0x0  }
0x72: {  	[sflag:s0] =	ssyncadd.s32 @!p0 s1  }
0x73: {  	[bflag:$0x3] =	sbarrier.arrive $0xFFFF  }
0x74: {  	_ =	shalt  }

// kernel: kernel.18.cloned.1.call-start
scs
__scs_entry_jumppad:
0x0: {  	(pc) =	sbr.rel $0x88, $3  }
0x1: {  	(tag) =	ssettag $0x0;
	lr =	simm.s32 $0x1  }
0x2: {  	[smem:$0x3F96] =	sst lr;
	_ =	strace $0xD0000000  }
0x3: {  	_ = 	snop  }
0x4: {  	_ = 	snop  }
0x5: {  	_ = 	snop  }
0x6: {  	_ = 	snop  }
0x7: {  	_ = 	snop  }
__scs_overlays_trampoline_lowered:
0x8: {  	[smem:$0x3FA5] =	sst s0  }
0x9: {  	[smem:$0x3FA6] =	sst s1  }
0xa: {  	[smem:$0x3FA7] =	sst s2  }
0xb: {  	[smem:$0x3FA8] =	sst s3  }
0xc: {  	[smem:$0x3FA9] =	sst s4  }
0xd: {  	[smem:$0x3FAA] =	sst s5  }
0xe: {  	[smem:$0x3FAB] =	sst s6  }
0xf: {  	[smem:$0x3FAC] =	sst s7  }
0x10: {  	[smem:$0x3FAD] =	sst s8  }
0x11: {  	[smem:$0x3FAE] =	sst s9;
	s0 =	simm.s32 @!p0 $0x0  }
0x12: {  	s1 =	sld [smem:$0x3F94];
	s0 =	simm.s32 @p0 $0x1  }
0x13: {  	[smem:$0x3FAF] =	sst s0;
	s0 =	simm.s32 @!p1 $0x0  }
0x14: {  	s2 =	sld [smem:$0x3F93];
	s0 =	simm.s32 @p1 $0x1  }
0x15: {  	[smem:$0x3FB0] =	sst s0;
	s0 =	simm.s32 @!p2 $0x0  }
0x16: {  	s3 =	sld [smem:$0x3FDB];
	s0 =	simm.s32 @p2 $0x1  }
0x17: {  	s4 =	simm.s32 $0x1BF5;
	[smem:$0x3FB2] =	sst s0  }
0x18: {  	s0 =	sld [smem:$0x3F95];
	_ =	swait.ge [sflag:s4], $0x0  }
0x19: {  	s7 =	sld [smem:$0x3F96]  }
0x1a: {  	s8 =	sadd.s32 $0xFFFFE003, lr  }
0x1b: {  	s9 =	sadd.s32 $0xFFFFFEF7, lr;
	s5 =	simm.s32 $0xFFFFFFFF;
	p2 =	slt.u32 s8, $0xFFFFF086  }
0x1c: {  	p1 =	slt.u32 s9, $0xF7A;
	s5 =	simm.s32 @!p2 $0x0  }
0x1d: {  	s5 =	simm.s32 @p1 $0x1;
	p0 =	seq.s32 s7, s2  }
0x1e: {  	s7 =	smul.u32 @!p0 $0xF7A, s2;
	p2 =	seq.s32 @!p0 s5, $0x0  }
0x1f: {  	s9 =	smul.u32 $0xF7A, s1;
	s8 =	simm.s32 @!p0 $0x1BF5;
	p2 =	por !p2, p0  }
0x20: {  	[sflag:s8] =	ssyncset.s32 @!p0 $0xFFFFF086;
	s6 =	sadd.s32 @!p0 s3, s7;
	s7 =	simm.s32 @!p0 $0x108  }
0x21: {  	s3 =	sadd.s32 s3, s9;
	s6 =	sadd.s32 @!p0 $0x88, s6;
	s7 =	simm.s32 @p2 $0x1082  }
0x22: {  	[simem:s7], [sflag:s8] =	dma.local @!p0 [hbm:s6], $0xF7A  }
0x23: {  	s9 =	sor.u32 $0xD0000000, s2;
	s6 =	simm.s32 $0x108;
	_ =	swait.ge @!p0 [sflag:s8], $0x0  }
0x24: {  	s3 =	sadd.s32 $0x88, s3;
	s6 =	simm.s32 @!p1 $0x1082;
	[sflag:s4] =	ssyncset.s32 $0xFFFFF086  }
0x25: {  	[simem:s6], [sflag:s4] =	dma.local [hbm:s3], $0xF7A  }
0x26: {  	[smem:$0x3F96] =	sst s1;
	(tag) =	ssettag s2;
	_ =	strace s9  }
0x27: {  	s1 =	sld [smem:$0x3FA6]  }
0x28: {  	s2 =	sld [smem:$0x3FA7]  }
0x29: {  	s4 =	sld [smem:$0x3FA9]  }
0x2a: {  	p0 =	seq.s32 s5, $0x0;
	s5 =	sld [smem:$0x3FAA]  }
0x2b: {  	s6 =	sld [smem:$0x3FAB]  }
0x2c: {  	s7 =	sld [smem:$0x3FAC]  }
0x2d: {  	s3 =	simm.s32 $0x108;
	s8 =	sld [smem:$0x3FAD]  }
0x2e: {  	s3 =	simm.s32 @!p0 $0x1082;
	s9 =	sld [smem:$0x3FAE]  }
0x2f: {  	lr =	sadd.s32 s0, s3;
	s0 =	sld [smem:$0x3FA5]  }
0x30: {  	s3 =	sld [smem:$0x3FA8]  }
0x31: {  	[smem:$0x3FB1] =	sst s10  }
0x32: {  	s10 =	sld [smem:$0x3FAF];
	_ =	sdelay $0x3  }
0x33: {  	p0 =	seq.s32 s10, $0x1;
	s10 =	sld [smem:$0x3FB1];
	_ =	sdelay $0x3  }
0x34: {  	[smem:$0x3FB1] =	sst s10  }
0x35: {  	s10 =	sld [smem:$0x3FB0];
	_ =	sdelay $0x3  }
0x36: {  	p1 =	seq.s32 s10, $0x1;
	s10 =	sld [smem:$0x3FB1];
	_ =	sdelay $0x3  }
0x37: {  	[smem:$0x3FB1] =	sst s10  }
0x38: {  	s10 =	sld [smem:$0x3FB2]  }
0x39: {  	_ = 	snop;
	(pc) =	sbr.ind lr, $3  }
0x3a: {  	_ = 	snop  }
0x3b: {  	_ = 	snop  }
0x3c: {  	p2 =	seq.s32 s10, $0x1;
	s10 =	sld [smem:$0x3FB1]  }
0x3d: {  	_ =	shalt  }
0x3e: {  	_ =	shalt  }
0x3f: {  	_ =	shalt  }
0x40: {  	_ =	shalt  }
0x41: {  	_ =	shalt  }
0x42: {  	_ =	shalt  }
0x43: {  	_ =	shalt  }
0x44: {  	_ =	shalt  }
0x45: {  	_ =	shalt  }
0x46: {  	_ =	shalt  }
0x47: {  	_ =	shalt  }
0x48: {  	_ =	shalt  }
0x49: {  	_ =	shalt  }
0x4a: {  	_ =	shalt  }
0x4b: {  	_ =	shalt  }
0x4c: {  	_ =	shalt  }
0x4d: {  	_ =	shalt  }
0x4e: {  	_ =	shalt  }
0x4f: {  	_ =	shalt  }
0x50: {  	_ =	shalt  }
0x51: {  	_ =	shalt  }
0x52: {  	_ =	shalt  }
0x53: {  	_ =	shalt  }
0x54: {  	_ =	shalt  }
0x55: {  	_ =	shalt  }
0x56: {  	_ =	shalt  }
0x57: {  	_ =	shalt  }
0x58: {  	_ =	shalt  }
0x59: {  	_ =	shalt  }
0x5a: {  	_ =	shalt  }
0x5b: {  	_ =	shalt  }
0x5c: {  	_ =	shalt  }
0x5d: {  	_ =	shalt  }
0x5e: {  	_ =	shalt  }
0x5f: {  	_ =	shalt  }
0x60: {  	_ =	shalt  }
0x61: {  	_ =	shalt  }
0x62: {  	_ =	shalt  }
0x63: {  	_ =	shalt  }
0x64: {  	_ =	shalt  }
0x65: {  	_ =	shalt  }
0x66: {  	_ =	shalt  }
0x67: {  	_ =	shalt  }
0x68: {  	_ =	shalt  }
0x69: {  	_ =	shalt  }
0x6a: {  	_ =	shalt  }
0x6b: {  	_ =	shalt  }
0x6c: {  	_ =	shalt  }
0x6d: {  	_ =	shalt  }
0x6e: {  	_ =	shalt  }
0x6f: {  	_ =	shalt  }
0x70: {  	_ =	shalt  }
0x71: {  	_ =	shalt  }
0x72: {  	_ =	shalt  }
0x73: {  	_ =	shalt  }
0x74: {  	_ =	shalt  }
0x75: {  	_ =	shalt  }
0x76: {  	_ =	shalt  }
0x77: {  	_ =	shalt  }
0x78: {  	_ =	shalt  }
0x79: {  	_ =	shalt  }
0x7a: {  	_ =	shalt  }
0x7b: {  	_ =	shalt  }
0x7c: {  	_ =	shalt  }
0x7d: {  	_ =	shalt  }
0x7e: {  	_ =	shalt  }
0x7f: {  	_ =	shalt  }
0x80: {  	_ =	shalt  }
0x81: {  	_ =	shalt  }
0x82: {  	_ =	shalt  }
0x83: {  	_ =	shalt  }
0x84: {  	_ =	shalt  }
0x85: {  	_ =	shalt  }
0x86: {  	_ =	shalt  }
0x87: {  	_ =	shalt  }
.Lfunc_end0:
.L_simem_size_0:
called_computation.3_lowered:
.L_overlay_start_0:
0x88: {  	s2 =	sld [smem:$0x3FD9]  }
0x89: {  	s3 =	sld [smem:$0x3FFE];
	_ =	sdelay $0x1  }
0x8a: {  	s1 =	srdreg.scid  }
0x8b: {  	s0 =	sand.u32 $0x1, s1  }
0x8c: {  	s17 =	sshll.u32 s0, $0xA;
	s2 =	sadd.s32 s3, s2  }
0x8d: {  	s2 =	sadd.s32 s2, s17  }
0x8e: {  	[smem:$0x3FBD] =	sst s2  }
0x8f: {  	_ = 	snop  }
0x90: {  	s2 =	sld [smem:$0x3FD0];
	(tm) =	ssettm $0x1  }
0x91: {  	s18 =	sld [smem:$0x3FFB];
	_ =	sdelay $0x3  }
0x92: {  	_ =	strace s18  }
0x93: {  	s3 =	sld [smem:$0x3FFC];
	_ =	sdelay $0x3  }
0x94: {  	_ =	strace s3  }
0x95: {  	s3 =	sld [smem:$0x3FFD];
	_ =	sdelay $0x3  }
0x96: {  	_ =	strace s3  }
0x97: {  	_ =	strace $0x8FFFFFFF  }
0x98: {  	s19 =	sld [smem:$0x3FDB];
	_ =	sdelay $0x1  }
0x99: {  	s4 =	simm.s32 $_scs_section_size  }
0x9a: {  	s5 =	simm.s32 $_size__tile_overlayer_lowered;
	s6 =	simm.s32 $_tile_overlayer_lowered  }
0x9b: {  	s22 =	simm.s32 $0x1BFF;
	s21 =	sshll.u32 s6, $0x1;
	s3 =	sadd.s32 s4, s19  }
0x9c: {  	s7 =	simm.s32 $0x0;
	s20 =	sshll.u32 s5, $0x1;
	s5 =	sadd.s32 s21, s3  }
0x9d: {  	[timem:s7], [sflag:s22] =	dma.local [hbm:s5], s20  }
0x9e: {  	_ =	swait.ge [sflag:s22], s20  }
0x9f: {  	s4 =	ssub.s32 $0x0, s20;
	[sflag:s22] =	ssyncset.done $0x0  }
0xa0: {  	[sflag:s22] =	ssyncadd.s32 s4;
	_ =	sdelay $0x1  }
0xa1: {  	s23 =	simm.s32 $0x1B8B  }
0xa2: {  	_ =	swait.ge [sflag:s23], $0x1  }
0xa3: {  	[sflag:s23] =	ssyncset.done $0x0  }
0xa4: {  	s25 =	simm.s32 $0x1B8E;
	s24 =	sld [smem:$0x3FFE];
	[sflag:s23] =	ssyncadd.s32 $0xFFFFFFFF  }
0xa5: {  	s26 =	simm.s32 $execute0_lowered;
	[smem:$0x3FD2] =	sst s25  }
0xa6: {  	s5 =	sshll.u32 s26, $0x1;
	_ =	strace $0x8000004F;
	[dreg:$0x1] =	wrdreg $0xFFFFFFFF  }
0xa7: {  	s28 =	simm.s32 $_size_execute0_lowered;
	s3 =	sadd.s32 s3, s5;
	[dreg:$0x0] =	wrdreg $0x0  }
0xa8: {  	s5 =	sshll.u32 s28, $0x1;
	[dreg:$0x2] =	wrdreg s3  }
0xa9: {  	[dreg:$0x3] =	wrdreg s5  }
0xaa: {  	[dreg:$0x4] =	wrdreg $0xC0  }
0xab: {  	_ =	task [dreg:s7], $0x5FFFF  }
0xac: {  	[dreg:$0x1] =	wrdreg $0xFFFFFFFF  }
0xad: {  	[dreg:$0x0] =	wrdreg $0x60  }
0xae: {  	[dreg:$0x2] =	wrdreg s24  }
0xaf: {  	[dreg:$0x3] =	wrdreg s2  }
0xb0: {  	[dreg:$0x4] =	wrdreg $0x60000  }
0xb1: {  	[dreg:$0x5] =	wrdreg $0x87100  }
0xb2: {  	[dreg:$0x6] =	wrdreg $0x9  }
0xb3: {  	_ =	task.clear_ibuf [dreg:s7], $0x7FFFF;
	_ =	strace $0x9000004F  }
0xb4: {  	s29 =	simm.s32 $0x9;
	_ =	strace $0x80000051  }
0xb5: {  	_ =	swait.ge [sflag:s29], $0x1  }
0xb6: {  	[sflag:s29] =	ssyncadd.s32 $0xFFFFFFFF  }
0xb7: {  	_ =	strace $0x90000051  }
0xb8: {  	_ =	sfence  }
0xb9: {  	s30 =	sld [smem:$0x0];
	_ =	sdelay $0x2  }
0xba: {  	s31 =	sshll.u32 s1, $0xD;
	s1 =	sshrl.u32 s1, $0x2  }
0xbb: {  	s3 =	sand.u32 $0x4000, s31;
	s1 =	sadd.s32 s1, s30  }
0xbc: {  	s0 =	sor.u32 s3, s0;
	s1 =	sshll.u32 s1, $0x11  }
0xbd: {  	s0 =	sor.u32 s1, s0  }
0xbe: {  	s0 =	sadd.s32 $0x8F2B, s0  }
0xbf: {  	[sflag:s0] =	ssyncadd.remote.s32 $0x1  }
0xc0: {  	_ =	sfence.sel $0xFFFF  }
0xc1: {  	[dreg:$0x0] =	wrdreg $0xFFFFFFFF;
	(pc) =	sbr.abs _section_cstart, $3  }
0xc2: {  	[dreg:$0x1] =	wrdreg $0xFFFFFFFF  }
0xc3: {  	_ =	task.clear_ibuf [dreg:s7], $0x2FFFF;
	_ =	strace $0x9FFFFFFF  }
0xc4: {  	(tm) =	ssettm $0x7FFFFFFF  }
0xc5: {  	_ =	shalt  }
tec
execute0_lowered:
.L_overlay_start_1:
0x0: {  	(tag) =	ssettag $0x1  }
0x1: {  	s6 =	rddreg [dreg:$0x0]  }
0x2: {  	s1 =	rddreg [dreg:$0x1]  }
0x3: {  	s2 =	rddreg [dreg:$0x2]  }
0x4: {  	s3 =	rddreg [dreg:$0x3]  }
0x5: {  	s4 =	srdreg.scid;
	s0 =	rddreg [dreg:$0x4]  }
0x6: {  	s5 =	simm.s32 $0x0;
	s17 =	simm.s32 $0x5800;
	s18 =	simm.s32 $0x1  }
0x7: {  	s19 =	simm.s32 $0x2;
	s20 =	simm.s32 $0x2780;
	s21 =	simm.s32 $0x4F00  }
0x8: {  	s22 =	simm.s32 $0x4F80;
	s7 =	sand.u32 $0x1, s4;
	s4 =	stileid.u32  }
0x9: {  	[smem:$0x7FF] =	sst s5;
	s8 =	sshll.u32 s7, $0x4;
	s9 =	smul.u32 $0x2710, s4  }
0xa: {  	_ =	strace $0x80000050;
	s11 =	smul.u32 $0x5000, s7;
	s7 =	ssub.s32 $0x2, s7  }
0xb: {  	s14 =	smul.u32 $0x2800, s4;
	s31 =	sshll.u32 s4, $0x6;
	s8 =	sor.u32 s4, s8  }
0xc: {  	s30 =	sshrl.u32 s7, $0x1;
	s8 =	smul.u32 $0x500, s8;
	s10 =	sshrl.u32 s9, $0x3  }
0xd: {  	s11 =	sadd.s32 s11, s6;
	s13 =	ssub.s32 s7, s30;
	s15 =	sadd.s32 s9, s2  }
0xe: {  	s7 =	sor.u32 $0x1C03, s31;
	s16 =	sadd.s32 s14, s3;
	s24 =	sshrl.u32 s14, $0x3  }
0xf: {  	s14 =	simm.s32 $0x2800;
	s10 =	sadd.s32 s10, s6;
	s23 =	sadd.s32 $0x11A00, s11  }
0x10: {  	s11 =	sshrl.u32 s15, $0x3;
	s15 =	simm.s32 $0x80;
	s12 =	sadd.s32 s8, s6  }
0x11: {  	s6 =	sadd.s32 $0xCA00, s10;
	s10 =	smax.u32 s13, $0x1;
	s13 =	sshrl.u32 s16, $0x3  }
0x12: {  	s16 =	simm.s32 $0x5000;
	s23 =	sadd.s32 s24, s23;
	s24 =	simm.s32 $0x0  }
0x13: {  	s8 =	sadd.s32 $0x118000, s12;
	s9 =	sadd.s32 $0x2A00, s12;
	s12 =	simm.s32 $0x3  }
.LBB2_1:
0x14: {  	[spmem:s11], [sflag:s7] =	dma.local [hbm:s6], $0x4E2  }
0x15: {  	_ =	swait.ge [sflag:s12], $0x4E2  }
0x16: {  	[sflag:s12] =	ssyncset.done $0x0  }
0x17: {  	[sflag:s12] =	ssyncadd.s32 $0xFFFFFB1E  }
0x18: {  	[spmem:s13], [sflag:s7] =	dma.local [hbm:s1], $0x500  }
0x19: {  	_ =	swait.ge [sflag:s12], $0x500  }
0x1a: {  	[sflag:s12] =	ssyncset.done $0x0  }
0x1b: {  	[sflag:s12] =	ssyncadd.s32 $0xFFFFFB00  }
0x1c: {  	[tilespmem:s5], [sflag:$0x3] =	stream.linear.gather [hbm4b:s8+s5], $0x2800, $0x38;
	[tilespmem:$0xAF10] =	vst v63  }
0x1d: {  	_ =	swait.ge [sflag:s12], $0x2800  }
0x1e: {  	[sflag:s12] =	ssyncset.done $0x0  }
0x1f: {  	[sflag:s12] =	ssyncadd.s32 $0xFFFFD800  }
0x20: {  	[tilespmem:s14], [sflag:$0x3] =	stream.linear.gather [hbm4b:s9+s5], $0x2800, $0x38;
	[tilespmem:$0xAF10] =	vst v63  }
0x21: {  	_ =	swait.ge [sflag:s12], $0x2800  }
0x22: {  	[sflag:s12] =	ssyncset.done $0x0  }
0x23: {  	[sflag:s12] =	ssyncadd.s32 $0xFFFFD800  }
0x24: {  	[bflag:$0x0] =	sbarrier.arrive $0xFFFF  }
0x25: {  	[tilespmem:s16], [sflag:$0x1] =	stream.indirect.gather [spmem:s2], $0x10, s5, s15, $0xb8;
	[tilespmem:$0xAF10] =	vst v63  }
0x26: {  	s25 =	simm.s32 $0x80  }
0x27: {  	[tilespmem:s17], [sflag:$0x2] =	stream.indirect.gather [spmem:s2], $0x10, s25, s15, $0xb8;
	[tilespmem:$0xAF10] =	vst v63  }
0x28: {  	_ =	swait.ge [sflag:s18], $0x800  }
0x29: {  	[sflag:s18] =	ssyncset.done $0x0  }
0x2a: {  	s29 =	simm.s32 $0x2800;
	[sflag:s18] =	ssyncadd.s32 $0xFFFFF800  }
0x2b: {  	[spmem:s3] =	stream.indirect.scatter.add.f32 [tilespmem:s16], [sflag:$0x3], $0x10, s29, s15, $0xb8;
	[tilespmem:$0xAF10] =	vst v63  }
0x2c: {  	_ =	swait.ge [sflag:s12], $0x800  }
0x2d: {  	[sflag:s12] =	ssyncset.done $0x0  }
0x2e: {  	s30 =	simm.s32 $0x100;
	[sflag:s12] =	ssyncadd.s32 $0xFFFFF800  }
0x2f: {  	[tilespmem:s16], [sflag:$0x1] =	stream.indirect.gather [spmem:s2], $0x10, s30, s15, $0xb8;
	[tilespmem:$0xAF10] =	vst v63  }
0x30: {  	_ =	swait.ge [sflag:s19], $0x800  }
0x31: {  	[sflag:s19] =	ssyncset.done $0x0  }
0x32: {  	s31 =	simm.s32 $0x2880;
	[sflag:s19] =	ssyncadd.s32 $0xFFFFF800  }
0x33: {  	[spmem:s3] =	stream.indirect.scatter.add.f32 [tilespmem:s17], [sflag:$0x3], $0x10, s31, s15, $0xb8;
	[tilespmem:$0xAF10] =	vst v63  }
0x34: {  	_ =	swait.ge [sflag:s12], $0x800  }
0x35: {  	s26 =	simm.s32 $0x800;
	s25 =	simm.s32 $0x100;
	[sflag:s12] =	ssyncset.done $0x0  }
.LBB2_2:
0x36: {  	s28 =	sadd.s32 $0x80, s25  }
0x37: {  	[sflag:s12] =	ssyncadd.s32 $0xFFFFF800;
	s29 =	smov.u32 s26;
	s30 =	sadd.s32 $0x400, s26  }
0x38: {  	[tilespmem:s17], [sflag:$0x2] =	stream.indirect.gather [spmem:s2], $0x10, s28, s15, $0xb8;
	[tilespmem:$0xAF10] =	vst v63  }
0x39: {  	p0 =	sne.s32 s26, $0x9800;
	_ =	swait.ge [sflag:s18], $0x800  }
0x3a: {  	[sflag:s18] =	ssyncset.done $0x0  }
0x3b: {  	s26 =	sadd.s32 $0x2800, s25;
	[sflag:s18] =	ssyncadd.s32 $0xFFFFF800  }
0x3c: {  	[spmem:s3] =	stream.indirect.scatter.add.f32 [tilespmem:s16], [sflag:$0x3], $0x10, s26, s15, $0xb8;
	[tilespmem:$0xAF10] =	vst v63  }
0x3d: {  	_ =	swait.ge [sflag:s12], $0x800  }
0x3e: {  	[sflag:s12] =	ssyncset.done $0x0  }
0x3f: {  	s26 =	sadd.s32 $0x100, s25;
	[sflag:s12] =	ssyncadd.s32 $0xFFFFF800  }
0x40: {  	[tilespmem:s16], [sflag:$0x1] =	stream.indirect.gather [spmem:s2], $0x10, s26, s15, $0xb8;
	[tilespmem:$0xAF10] =	vst v63  }
0x41: {  	_ =	swait.ge [sflag:s19], $0x800  }
.Ltmp0:
0x42: {  	[sflag:s19] =	ssyncset.done $0x0;
	(pc) =	sbr.rel @p0 .LBB2_2-.Ltmp0, $4  }
0x43: {  	s25 =	sadd.s32 $0x2880, s25;
	[sflag:s19] =	ssyncadd.s32 $0xFFFFF800  }
0x44: {  	[spmem:s3] =	stream.indirect.scatter.add.f32 [tilespmem:s17], [sflag:$0x3], $0x10, s25, s15, $0xb8;
	[tilespmem:$0xAF10] =	vst v63  }
0x45: {  	_ =	swait.ge [sflag:s12], $0x800  }
0x46: {  	s26 =	smov.u32 s30;
	s25 =	sshra.s32 s29, $0x2;
	[sflag:s12] =	ssyncset.done $0x0  }
0x47: {  	s26 =	sadd.s32 $0x80, s25;
	[sflag:s12] =	ssyncadd.s32 $0xFFFFF800  }
0x48: {  	[tilespmem:s17], [sflag:$0x2] =	stream.indirect.gather [spmem:s2], $0x10, s26, s15, $0xb8;
	[tilespmem:$0xAF10] =	vst v63  }
0x49: {  	_ =	swait.ge [sflag:s18], $0x800  }
0x4a: {  	[sflag:s18] =	ssyncset.done $0x0  }
0x4b: {  	s29 =	sadd.s32 $0x2800, s25;
	[sflag:s18] =	ssyncadd.s32 $0xFFFFF800  }
0x4c: {  	[spmem:s3] =	stream.indirect.scatter.add.f32 [tilespmem:s16], [sflag:$0x3], $0x10, s29, s15, $0xb8;
	[tilespmem:$0xAF10] =	vst v63  }
0x4d: {  	_ =	swait.ge [sflag:s12], $0x800  }
0x4e: {  	[sflag:s12] =	ssyncset.done $0x0  }
0x4f: {  	s30 =	sadd.s32 $0x100, s25;
	[sflag:s12] =	ssyncadd.s32 $0xFFFFF800  }
0x50: {  	[tilespmem:s16], [sflag:$0x1] =	stream.indirect.gather [spmem:s2], $0x10, s30, s15, $0xb8;
	[tilespmem:$0xAF10] =	vst v63  }
0x51: {  	_ =	swait.ge [sflag:s19], $0x800  }
0x52: {  	[sflag:s19] =	ssyncset.done $0x0  }
0x53: {  	s31 =	sadd.s32 $0x2880, s25;
	[sflag:s19] =	ssyncadd.s32 $0xFFFFF800  }
0x54: {  	[spmem:s3] =	stream.indirect.scatter.add.f32 [tilespmem:s17], [sflag:$0x3], $0x10, s31, s15, $0xb8;
	[tilespmem:$0xAF10] =	vst v63  }
0x55: {  	_ =	swait.ge [sflag:s12], $0x800  }
0x56: {  	[sflag:s12] =	ssyncset.done $0x0  }
0x57: {  	[sflag:s12] =	ssyncadd.s32 $0xFFFFF800  }
0x58: {  	[tilespmem:s17], [sflag:$0x2] =	stream.indirect.gather [spmem:s2], $0x10, s20, s15, $0xb8;
	[tilespmem:$0xAF10] =	vst v63  }
0x59: {  	_ =	swait.ge [sflag:s18], $0x800  }
0x5a: {  	[sflag:s18] =	ssyncset.done $0x0  }
0x5b: {  	[sflag:s18] =	ssyncadd.s32 $0xFFFFF800  }
0x5c: {  	[spmem:s3] =	stream.indirect.scatter.add.f32 [tilespmem:s16], [sflag:$0x3], $0x10, s21, s15, $0xb8;
	[tilespmem:$0xAF10] =	vst v63  }
0x5d: {  	_ =	swait.ge [sflag:s12], $0x800  }
0x5e: {  	[sflag:s12] =	ssyncset.done $0x0  }
0x5f: {  	[sflag:s12] =	ssyncadd.s32 $0xFFFFF800  }
0x60: {  	_ =	swait.ge [sflag:s19], $0x800  }
0x61: {  	[sflag:s19] =	ssyncset.done $0x0  }
0x62: {  	[sflag:s19] =	ssyncadd.s32 $0xFFFFF800  }
0x63: {  	[spmem:s3] =	stream.indirect.scatter.add.f32 [tilespmem:s17], [sflag:$0x3], $0x10, s22, s15, $0xb8;
	[tilespmem:$0xAF10] =	vst v63  }
0x64: {  	_ =	swait.ge [sflag:s12], $0x800  }
0x65: {  	s24 =	sadd.s32 $0x1, s24;
	[sflag:s12] =	ssyncset.done $0x0  }
0x66: {  	p0 =	sne.s32 s24, s10;
	[sflag:s12] =	ssyncadd.s32 $0xFFFFF800  }
.Ltmp1:
0x67: {  	[bflag:$0x0] =	sbarrier.arrive $0xFFFF;
	(pc) =	sbr.rel @p0 .LBB2_1-.Ltmp1, $4  }
0x68: {  	[hbm:s23], [sflag:s7] =	dma.local [spmem:s13], $0x500  }
0x69: {  	_ =	swait.ge [sflag:s12], $0x500  }
0x6a: {  	[sflag:s12] =	ssyncset.done $0x0  }
0x6b: {  	[sflag:s12] =	ssyncadd.s32 $0xFFFFFB00  }
0x6c: {  	_ =	sfence.sel $0x180000  }
0x6d: {  	[bflag:$0x0] =	sbarrier.arrive $0xFFFF  }
0x6e: {  	p0 =	sne.s32 s4, $0x0;
	_ =	strace $0x90000050  }
0x6f: {  	s0 =	sadd.s32 @!p0 $0x100000, s0;
	[bflag:$0x2] =	sbarrier.arrive $0xFFFF  }
0x70: {  	[sflag:s0] =	ssyncadd.tile.s32 @!p0 $0x1;
	_ =	shalt  }
.Lfunc_end2:
_tile_overlayer_lowered:
.L_overlay_start_2:
0x71: {  	(tag) =	ssettag $0x2  }
0x72: {  	s0 =	rddreg [dreg:$0x0];
	s2 =	stileid.u32  }
0x73: {  	s1 =	rddreg [dreg:$0x1];
	p0 =	sne.s32 s2, $0x0  }
0x74: {  	s3 =	rddreg [dreg:$0x2];
	[bflag:$0x3] =	sbarrier.arrive $0xFFFF;
	s2 =	simm.s32 @!p0 $0x1C03  }
0x75: {  	[timem:s3], [sflag:s2] =	dma.local @!p0 [hbm:s0], s1  }
0x76: {  	s0 =	simm.s32 @!p0 $0x3  }
0x77: {  	_ =	swait.ge @!p0 [sflag:s0], s1  }
0x78: {  	s1 =	ssub.s32 @!p0 $0x0, s1;
	[sflag:s0] =	ssyncset.done @!p0 $0x0  }
0x79: {  	[sflag:s0] =	ssyncadd.s32 @!p0 s1  }
0x7a: {  	[bflag:$0x3] =	sbarrier.arrive $0xFFFF  }
0x7b: {  	_ =	shalt  }

// kernel: kernel.9.cloned.1.call-start
scs
__scs_entry_jumppad:
0x0: {  	(pc) =	sbr.rel $0x88, $3  }
0x1: {  	(tag) =	ssettag $0x0;
	lr =	simm.s32 $0x1  }
0x2: {  	[smem:$0x3F96] =	sst lr;
	_ =	strace $0xD0000000  }
0x3: {  	_ = 	snop  }
0x4: {  	_ = 	snop  }
0x5: {  	_ = 	snop  }
0x6: {  	_ = 	snop  }
0x7: {  	_ = 	snop  }
__scs_overlays_trampoline_lowered:
0x8: {  	[smem:$0x3FA5] =	sst s0  }
0x9: {  	[smem:$0x3FA6] =	sst s1  }
0xa: {  	[smem:$0x3FA7] =	sst s2  }
0xb: {  	[smem:$0x3FA8] =	sst s3  }
0xc: {  	[smem:$0x3FA9] =	sst s4  }
0xd: {  	[smem:$0x3FAA] =	sst s5  }
0xe: {  	[smem:$0x3FAB] =	sst s6  }
0xf: {  	[smem:$0x3FAC] =	sst s7  }
0x10: {  	[smem:$0x3FAD] =	sst s8  }
0x11: {  	[smem:$0x3FAE] =	sst s9;
	s0 =	simm.s32 @!p0 $0x0  }
0x12: {  	s1 =	sld [smem:$0x3F94];
	s0 =	simm.s32 @p0 $0x1  }
0x13: {  	[smem:$0x3FAF] =	sst s0;
	s0 =	simm.s32 @!p1 $0x0  }
0x14: {  	s2 =	sld [smem:$0x3F93];
	s0 =	simm.s32 @p1 $0x1  }
0x15: {  	[smem:$0x3FB0] =	sst s0;
	s0 =	simm.s32 @!p2 $0x0  }
0x16: {  	s3 =	sld [smem:$0x3FDB];
	s0 =	simm.s32 @p2 $0x1  }
0x17: {  	s4 =	simm.s32 $0x1BF5;
	[smem:$0x3FB2] =	sst s0  }
0x18: {  	s0 =	sld [smem:$0x3F95];
	_ =	swait.ge [sflag:s4], $0x0  }
0x19: {  	s7 =	sld [smem:$0x3F96]  }
0x1a: {  	s8 =	sadd.s32 $0xFFFFE003, lr  }
0x1b: {  	s9 =	sadd.s32 $0xFFFFFEF7, lr;
	s5 =	simm.s32 $0xFFFFFFFF;
	p2 =	slt.u32 s8, $0xFFFFF086  }
0x1c: {  	p1 =	slt.u32 s9, $0xF7A;
	s5 =	simm.s32 @!p2 $0x0  }
0x1d: {  	s5 =	simm.s32 @p1 $0x1;
	p0 =	seq.s32 s7, s2  }
0x1e: {  	s7 =	smul.u32 @!p0 $0xF7A, s2;
	p2 =	seq.s32 @!p0 s5, $0x0  }
0x1f: {  	s9 =	smul.u32 $0xF7A, s1;
	s8 =	simm.s32 @!p0 $0x1BF5;
	p2 =	por !p2, p0  }
0x20: {  	[sflag:s8] =	ssyncset.s32 @!p0 $0xFFFFF086;
	s6 =	sadd.s32 @!p0 s3, s7;
	s7 =	simm.s32 @!p0 $0x108  }
0x21: {  	s3 =	sadd.s32 s3, s9;
	s6 =	sadd.s32 @!p0 $0x88, s6;
	s7 =	simm.s32 @p2 $0x1082  }
0x22: {  	[simem:s7], [sflag:s8] =	dma.local @!p0 [hbm:s6], $0xF7A  }
0x23: {  	s9 =	sor.u32 $0xD0000000, s2;
	s6 =	simm.s32 $0x108;
	_ =	swait.ge @!p0 [sflag:s8], $0x0  }
0x24: {  	s3 =	sadd.s32 $0x88, s3;
	s6 =	simm.s32 @!p1 $0x1082;
	[sflag:s4] =	ssyncset.s32 $0xFFFFF086  }
0x25: {  	[simem:s6], [sflag:s4] =	dma.local [hbm:s3], $0xF7A  }
0x26: {  	[smem:$0x3F96] =	sst s1;
	(tag) =	ssettag s2;
	_ =	strace s9  }
0x27: {  	s1 =	sld [smem:$0x3FA6]  }
0x28: {  	s2 =	sld [smem:$0x3FA7]  }
0x29: {  	s4 =	sld [smem:$0x3FA9]  }
0x2a: {  	p0 =	seq.s32 s5, $0x0;
	s5 =	sld [smem:$0x3FAA]  }
0x2b: {  	s6 =	sld [smem:$0x3FAB]  }
0x2c: {  	s7 =	sld [smem:$0x3FAC]  }
0x2d: {  	s3 =	simm.s32 $0x108;
	s8 =	sld [smem:$0x3FAD]  }
0x2e: {  	s3 =	simm.s32 @!p0 $0x1082;
	s9 =	sld [smem:$0x3FAE]  }
0x2f: {  	lr =	sadd.s32 s0, s3;
	s0 =	sld [smem:$0x3FA5]  }
0x30: {  	s3 =	sld [smem:$0x3FA8]  }
0x31: {  	[smem:$0x3FB1] =	sst s10  }
0x32: {  	s10 =	sld [smem:$0x3FAF];
	_ =	sdelay $0x3  }
0x33: {  	p0 =	seq.s32 s10, $0x1;
	s10 =	sld [smem:$0x3FB1];
	_ =	sdelay $0x3  }
0x34: {  	[smem:$0x3FB1] =	sst s10  }
0x35: {  	s10 =	sld [smem:$0x3FB0];
	_ =	sdelay $0x3  }
0x36: {  	p1 =	seq.s32 s10, $0x1;
	s10 =	sld [smem:$0x3FB1];
	_ =	sdelay $0x3  }
0x37: {  	[smem:$0x3FB1] =	sst s10  }
0x38: {  	s10 =	sld [smem:$0x3FB2]  }
0x39: {  	_ = 	snop;
	(pc) =	sbr.ind lr, $3  }
0x3a: {  	_ = 	snop  }
0x3b: {  	_ = 	snop  }
0x3c: {  	p2 =	seq.s32 s10, $0x1;
	s10 =	sld [smem:$0x3FB1]  }
0x3d: {  	_ =	shalt  }
0x3e: {  	_ =	shalt  }
0x3f: {  	_ =	shalt  }
0x40: {  	_ =	shalt  }
0x41: {  	_ =	shalt  }
0x42: {  	_ =	shalt  }
0x43: {  	_ =	shalt  }
0x44: {  	_ =	shalt  }
0x45: {  	_ =	shalt  }
0x46: {  	_ =	shalt  }
0x47: {  	_ =	shalt  }
0x48: {  	_ =	shalt  }
0x49: {  	_ =	shalt  }
0x4a: {  	_ =	shalt  }
0x4b: {  	_ =	shalt  }
0x4c: {  	_ =	shalt  }
0x4d: {  	_ =	shalt  }
0x4e: {  	_ =	shalt  }
0x4f: {  	_ =	shalt  }
0x50: {  	_ =	shalt  }
0x51: {  	_ =	shalt  }
0x52: {  	_ =	shalt  }
0x53: {  	_ =	shalt  }
0x54: {  	_ =	shalt  }
0x55: {  	_ =	shalt  }
0x56: {  	_ =	shalt  }
0x57: {  	_ =	shalt  }
0x58: {  	_ =	shalt  }
0x59: {  	_ =	shalt  }
0x5a: {  	_ =	shalt  }
0x5b: {  	_ =	shalt  }
0x5c: {  	_ =	shalt  }
0x5d: {  	_ =	shalt  }
0x5e: {  	_ =	shalt  }
0x5f: {  	_ =	shalt  }
0x60: {  	_ =	shalt  }
0x61: {  	_ =	shalt  }
0x62: {  	_ =	shalt  }
0x63: {  	_ =	shalt  }
0x64: {  	_ =	shalt  }
0x65: {  	_ =	shalt  }
0x66: {  	_ =	shalt  }
0x67: {  	_ =	shalt  }
0x68: {  	_ =	shalt  }
0x69: {  	_ =	shalt  }
0x6a: {  	_ =	shalt  }
0x6b: {  	_ =	shalt  }
0x6c: {  	_ =	shalt  }
0x6d: {  	_ =	shalt  }
0x6e: {  	_ =	shalt  }
0x6f: {  	_ =	shalt  }
0x70: {  	_ =	shalt  }
0x71: {  	_ =	shalt  }
0x72: {  	_ =	shalt  }
0x73: {  	_ =	shalt  }
0x74: {  	_ =	shalt  }
0x75: {  	_ =	shalt  }
0x76: {  	_ =	shalt  }
0x77: {  	_ =	shalt  }
0x78: {  	_ =	shalt  }
0x79: {  	_ =	shalt  }
0x7a: {  	_ =	shalt  }
0x7b: {  	_ =	shalt  }
0x7c: {  	_ =	shalt  }
0x7d: {  	_ =	shalt  }
0x7e: {  	_ =	shalt  }
0x7f: {  	_ =	shalt  }
0x80: {  	_ =	shalt  }
0x81: {  	_ =	shalt  }
0x82: {  	_ =	shalt  }
0x83: {  	_ =	shalt  }
0x84: {  	_ =	shalt  }
0x85: {  	_ =	shalt  }
0x86: {  	_ =	shalt  }
0x87: {  	_ =	shalt  }
.Lfunc_end0:
.L_simem_size_0:
called_computation_lowered:
.L_overlay_start_0:
0x88: {  	s2 =	sld [smem:$0x3FD9]  }
0x89: {  	s3 =	sld [smem:$0x3FFE];
	_ =	sdelay $0x1  }
0x8a: {  	s1 =	srdreg.scid  }
0x8b: {  	s0 =	sand.u32 $0x1, s1  }
0x8c: {  	s17 =	sshll.u32 s0, $0xA;
	s2 =	sadd.s32 s3, s2  }
0x8d: {  	s2 =	sadd.s32 s2, s17  }
0x8e: {  	[smem:$0x3FBD] =	sst s2  }
0x8f: {  	_ = 	snop  }
0x90: {  	s2 =	sld [smem:$0x3FD0];
	(tm) =	ssettm $0x1  }
0x91: {  	s18 =	sld [smem:$0x3FFB];
	_ =	sdelay $0x3  }
0x92: {  	_ =	strace s18  }
0x93: {  	s3 =	sld [smem:$0x3FFC];
	_ =	sdelay $0x3  }
0x94: {  	_ =	strace s3  }
0x95: {  	s3 =	sld [smem:$0x3FFD];
	_ =	sdelay $0x3  }
0x96: {  	_ =	strace s3  }
0x97: {  	_ =	strace $0x8FFFFFFF  }
0x98: {  	s19 =	sld [smem:$0x3FDB];
	_ =	sdelay $0x1  }
0x99: {  	s4 =	simm.s32 $_scs_section_size  }
0x9a: {  	s5 =	simm.s32 $_size__tile_overlayer_lowered;
	s6 =	simm.s32 $_tile_overlayer_lowered  }
0x9b: {  	s22 =	simm.s32 $0x1BFF;
	s21 =	sshll.u32 s6, $0x1;
	s3 =	sadd.s32 s4, s19  }
0x9c: {  	s7 =	simm.s32 $0x0;
	s20 =	sshll.u32 s5, $0x1;
	s5 =	sadd.s32 s21, s3  }
0x9d: {  	[timem:s7], [sflag:s22] =	dma.local [hbm:s5], s20  }
0x9e: {  	_ =	swait.ge [sflag:s22], s20  }
0x9f: {  	s4 =	ssub.s32 $0x0, s20;
	[sflag:s22] =	ssyncset.done $0x0  }
0xa0: {  	[sflag:s22] =	ssyncadd.s32 s4;
	_ =	sdelay $0x1  }
0xa1: {  	s23 =	simm.s32 $0x1B8B  }
0xa2: {  	_ =	swait.ge [sflag:s23], $0x1  }
0xa3: {  	[sflag:s23] =	ssyncset.done $0x0  }
0xa4: {  	s25 =	simm.s32 $0x1B8E;
	s24 =	sld [smem:$0x3FFE];
	[sflag:s23] =	ssyncadd.s32 $0xFFFFFFFF  }
0xa5: {  	s26 =	simm.s32 $execute0_lowered;
	[smem:$0x3FD2] =	sst s25  }
0xa6: {  	s5 =	sshll.u32 s26, $0x1;
	_ =	strace $0x80000046;
	[dreg:$0x1] =	wrdreg $0xFFFFFFFF  }
0xa7: {  	s28 =	simm.s32 $_size_execute0_lowered;
	s3 =	sadd.s32 s3, s5;
	[dreg:$0x0] =	wrdreg $0x0  }
0xa8: {  	s5 =	sshll.u32 s28, $0x1;
	[dreg:$0x2] =	wrdreg s3  }
0xa9: {  	[dreg:$0x3] =	wrdreg s5  }
0xaa: {  	[dreg:$0x4] =	wrdreg $0xC0  }
0xab: {  	_ =	task [dreg:s7], $0x5FFFF  }
0xac: {  	[dreg:$0x1] =	wrdreg $0xFFFFFFFF  }
0xad: {  	[dreg:$0x0] =	wrdreg $0x60  }
0xae: {  	[dreg:$0x2] =	wrdreg s24  }
0xaf: {  	[dreg:$0x3] =	wrdreg s2  }
0xb0: {  	[dreg:$0x4] =	wrdreg $0x30000  }
0xb1: {  	[dreg:$0x5] =	wrdreg $0x9  }
0xb2: {  	_ =	task.clear_ibuf [dreg:s7], $0x6FFFF;
	_ =	strace $0x90000046  }
0xb3: {  	s29 =	simm.s32 $0x9;
	_ =	strace $0x80000048  }
0xb4: {  	_ =	swait.ge [sflag:s29], $0x1  }
0xb5: {  	[sflag:s29] =	ssyncadd.s32 $0xFFFFFFFF  }
0xb6: {  	_ =	strace $0x90000048  }
0xb7: {  	_ =	sfence  }
0xb8: {  	s30 =	sld [smem:$0x0];
	_ =	sdelay $0x2  }
0xb9: {  	s31 =	sshll.u32 s1, $0xD;
	s1 =	sshrl.u32 s1, $0x2  }
0xba: {  	s3 =	sand.u32 $0x4000, s31;
	s1 =	sadd.s32 s1, s30  }
0xbb: {  	s0 =	sor.u32 s3, s0;
	s1 =	sshll.u32 s1, $0x11  }
0xbc: {  	s0 =	sor.u32 s1, s0  }
0xbd: {  	s0 =	sadd.s32 $0x8F2B, s0  }
0xbe: {  	[sflag:s0] =	ssyncadd.remote.s32 $0x1  }
0xbf: {  	_ =	sfence.sel $0xFFFF  }
0xc0: {  	[dreg:$0x0] =	wrdreg $0xFFFFFFFF;
	(pc) =	sbr.abs _section_cstart, $3  }
0xc1: {  	[dreg:$0x1] =	wrdreg $0xFFFFFFFF  }
0xc2: {  	_ =	task.clear_ibuf [dreg:s7], $0x2FFFF;
	_ =	strace $0x9FFFFFFF  }
0xc3: {  	(tm) =	ssettm $0x7FFFFFFF  }
tec
execute0_lowered:
.L_overlay_start_1:
0x0: {  	(tag) =	ssettag $0x1  }
0x1: {  	s6 =	rddreg [dreg:$0x0]  }
0x2: {  	s2 =	rddreg [dreg:$0x1]  }
0x3: {  	s0 =	srdreg.scid;
	s3 =	rddreg [dreg:$0x2]  }
0x4: {  	s4 =	simm.s32 $0x0;
	s5 =	sand.u32 $0x1, s0;
	s0 =	rddreg [dreg:$0x3]  }
0x5: {  	s1 =	stileid.u32;
	s12 =	simm.s32 $0x80;
	[smem:$0x7FF] =	sst s4  }
0x6: {  	s11 =	smul.u32 $0x2800, s1;
	s30 =	sshll.u32 s1, $0x6;
	s7 =	sshll.u32 s5, $0x4  }
0x7: {  	_ =	strace $0x80000047;
	s8 =	smul.u32 $0x5000, s5;
	s9 =	ssub.s32 $0x2, s5  }
0x8: {  	s5 =	sadd.s32 $0xCA00, s6;
	s7 =	sor.u32 s1, s7;
	s10 =	sshrl.u32 s9, $0x1  }
0x9: {  	s31 =	sadd.s32 s11, s3;
	s14 =	sshrl.u32 s11, $0x3;
	s11 =	simm.s32 $0x2800  }
0xa: {  	s7 =	smul.u32 $0x500, s7;
	s8 =	sadd.s32 s8, s6;
	s9 =	ssub.s32 s9, s10  }
0xb: {  	s10 =	simm.s32 $0x1;
	s13 =	sadd.s32 $0xCC00, s8;
	s8 =	smax.u32 s9, $0x1  }
0xc: {  	s9 =	sshrl.u32 s31, $0x3;
	s7 =	sadd.s32 s7, s6;
	s6 =	sor.u32 $0x1C01, s30  }
0xd: {  	s13 =	sadd.s32 s14, s13;
	s14 =	simm.s32 $0x0;
	s7 =	sadd.s32 $0x2A00, s7  }
.LBB2_1:
0xe: {  	[spmem:s9], [sflag:s6] =	dma.local [hbm:s2], $0x500  }
0xf: {  	_ =	swait.ge [sflag:s10], $0x500  }
0x10: {  	[sflag:s10] =	ssyncset.done $0x0  }
0x11: {  	[sflag:s10] =	ssyncadd.s32 $0xFFFFFB00  }
0x12: {  	[tilespmem:s4], [sflag:$0x1] =	stream.linear.gather [hbm4b:s7+s4], $0x2800, $0x38;
	[tilespmem:$0x5800] =	vst v63  }
0x13: {  	_ =	swait.ge [sflag:s10], $0x2800  }
0x14: {  	[sflag:s10] =	ssyncset.done $0x0  }
0x15: {  	[sflag:s10] =	ssyncadd.s32 $0xFFFFD800  }
0x16: {  	[tilespmem:s11], [sflag:$0x1] =	stream.linear.gather [hbm4b:s5+s4], $0x800, $0x38;
	[tilespmem:$0x5800] =	vst v63  }
0x17: {  	_ =	swait.ge [sflag:s10], $0x800  }
0x18: {  	[sflag:s10] =	ssyncset.done $0x0  }
0x19: {  	[sflag:s10] =	ssyncadd.s32 $0xFFFFF800  }
0x1a: {  	s15 =	simm.s32 $0x0;
	[bflag:$0x0] =	sbarrier.arrive $0xFFFF  }
0x1b: {  	[spmem:s3] =	stream.indirect.scatter.add.f32 [tilespmem:s11], [sflag:$0x1], $0x10, s15, s12, $0xb8;
	[tilespmem:$0x5800] =	vst v63  }
0x1c: {  	_ =	swait.ge [sflag:s10], $0x800  }
0x1d: {  	s15 =	simm.s32 $0x200;
	[sflag:s10] =	ssyncset.done $0x0  }
.LBB2_2:
0x1e: {  	s16 =	sshra.s32 s15, $0x2;
	[sflag:s10] =	ssyncadd.s32 $0xFFFFF800;
	p0 =	sne.s32 s15, $0x9E00  }
0x1f: {  	[spmem:s3] =	stream.indirect.scatter.add.f32 [tilespmem:s11], [sflag:$0x1], $0x10, s16, s12, $0xb8;
	[tilespmem:$0x5800] =	vst v63  }
.Ltmp0:
0x20: {  	_ = 	snop;
	(pc) =	sbr.rel @p0 .LBB2_2-.Ltmp0, $4  }
0x21: {  	_ = 	snop  }
0x22: {  	s15 =	sadd.s32 $0x200, s15  }
0x23: {  	_ =	swait.ge [sflag:s10], $0x800  }
0x24: {  	[sflag:s10] =	ssyncset.done $0x0  }
0x25: {  	s14 =	sadd.s32 $0x1, s14  }
0x26: {  	[sflag:s10] =	ssyncadd.s32 $0xFFFFF800;
	p0 =	sne.s32 s14, s8  }
.Ltmp1:
0x27: {  	[bflag:$0x0] =	sbarrier.arrive $0xFFFF;
	(pc) =	sbr.rel @p0 .LBB2_1-.Ltmp1, $4  }
0x28: {  	[hbm:s13], [sflag:s6] =	dma.local [spmem:s9], $0x500  }
0x29: {  	_ =	swait.ge [sflag:s10], $0x500  }
0x2a: {  	[sflag:s10] =	ssyncset.done $0x0  }
0x2b: {  	[sflag:s10] =	ssyncadd.s32 $0xFFFFFB00  }
0x2c: {  	_ =	sfence.sel $0x180000  }
0x2d: {  	[bflag:$0x0] =	sbarrier.arrive $0xFFFF  }
0x2e: {  	p0 =	sne.s32 s1, $0x0;
	_ =	strace $0x90000047  }
0x2f: {  	s0 =	sadd.s32 @!p0 $0x100000, s0;
	[bflag:$0x2] =	sbarrier.arrive $0xFFFF  }
0x30: {  	[sflag:s0] =	ssyncadd.tile.s32 @!p0 $0x1;
	_ =	shalt  }
.Lfunc_end2:
_tile_overlayer_lowered:
.L_overlay_start_2:
0x31: {  	(tag) =	ssettag $0x2  }
0x32: {  	s0 =	rddreg [dreg:$0x0];
	s2 =	stileid.u32  }
0x33: {  	s1 =	rddreg [dreg:$0x1];
	p0 =	sne.s32 s2, $0x0  }
0x34: {  	s3 =	rddreg [dreg:$0x2];
	[bflag:$0x3] =	sbarrier.arrive $0xFFFF;
	s2 =	simm.s32 @!p0 $0x1C01  }
0x35: {  	[timem:s3], [sflag:s2] =	dma.local @!p0 [hbm:s0], s1  }
0x36: {  	s0 =	simm.s32 @!p0 $0x1  }
0x37: {  	_ =	swait.ge @!p0 [sflag:s0], s1  }
0x38: {  	s1 =	ssub.s32 @!p0 $0x0, s1;
	[sflag:s0] =	ssyncset.done @!p0 $0x0  }
0x39: {  	[sflag:s0] =	ssyncadd.s32 @!p0 s1  }
0x3a: {  	[bflag:$0x3] =	sbarrier.arrive $0xFFFF  }
0x3b: {  	_ =	shalt  }

</sc_bundles>
